<compile_context>
chip_gen: v7x
topology: tpu7x:2x2x1
jax: 0.10.2.dev20260603
libtpu: 0.0.44.dev20260713+nightly
codegen_flags: <defaults>
</compile_context>

<pallas_src>
import functools

import jax
import jax.numpy as jnp
from jax import lax
from jax.experimental import pallas as pl
from jax.experimental.pallas import tpu as pltpu
from jax.experimental.pallas import tpu_sc as plsc

N = 10000
E = 160000
NPAD = 10240
F = 256
HALF = 128
NTILES = 16
EPT = E // NTILES
SUB = 80
NSUB = EPT // SUB
BLK = 1600
SPB = BLK // SUB
ROWS_PT = NPAD // NTILES

_mesh = plsc.VectorSubcoreMesh(core_axis_name="c", subcore_axis_name="s")


@functools.partial(
    pl.kernel,
    out_type=jax.ShapeDtypeStruct((2, NTILES, NPAD), jnp.float32),
    mesh=_mesh,
    scratch_types=[
        pltpu.VMEM((EPT,), jnp.int32),
        pltpu.VMEM((NPAD,), jnp.float32),
    ],
    compiler_params=pltpu.CompilerParams(needs_layout_passes=False),
)
def _sc_degrees(src_hbm, dst_hbm, out_hbm, idx_v, acc_v):
    c = lax.axis_index("c")
    s = lax.axis_index("s")

    @pl.when(c == 0)
    def _load_src():
        pltpu.sync_copy(src_hbm.at[pl.ds(s * EPT, EPT)], idx_v)

    @pl.when(c == 1)
    def _load_dst():
        pltpu.sync_copy(dst_hbm.at[pl.ds(s * EPT, EPT)], idx_v)

    def zero(i, carry):
        acc_v[pl.ds(i * 16, 16)] = jnp.zeros((16,), jnp.float32)
        return carry

    lax.fori_loop(0, NPAD // 16, zero, 0)

    ones = jnp.ones((16,), jnp.float32)

    def body(i, carry):
        u = idx_v[pl.ds(i * 16, 16)]
        plsc.addupdate_scatter(acc_v, [u], ones)
        return carry

    lax.fori_loop(0, EPT // 16, body, 0)
    pltpu.sync_copy(acc_v, out_hbm.at[c, s])


def _tc_scale_matmul_body(parts_ref, x_ref, w1_ref, y_ref, rin_ref, rout_ref):
    deg = jnp.sum(parts_ref[...], axis=1)
    r = lax.rsqrt(jnp.clip(deg, 1.0, None))
    rout = r[0]
    rin = r[1]
    y = jnp.dot(x_ref[...], w1_ref[...], preferred_element_type=jnp.float32)
    y = y * rout[:, None]
    y_ref[0] = y[:, :HALF]
    y_ref[1] = y[:, HALF:]
    rin_ref[...] = rin
    rout_ref[...] = rout


def _tc_scale_matmul(parts, x, W1):
    BN = 512
    grid = (NPAD // BN,)
    return pl.pallas_call(
        _tc_scale_matmul_body,
        grid=grid,
        in_specs=[
            pl.BlockSpec((2, NTILES, BN), lambda i: (0, 0, i)),
            pl.BlockSpec((BN, F), lambda i: (i, 0)),
            pl.BlockSpec((F, F), lambda i: (0, 0)),
        ],
        out_specs=[
            pl.BlockSpec((2, BN, HALF), lambda i: (0, i, 0)),
            pl.BlockSpec((BN,), lambda i: (i,)),
            pl.BlockSpec((BN,), lambda i: (i,)),
        ],
        out_shape=[
            jax.ShapeDtypeStruct((2, NPAD, HALF), jnp.float32),
            jax.ShapeDtypeStruct((NPAD,), jnp.float32),
            jax.ShapeDtypeStruct((NPAD,), jnp.float32),
        ],
    )(parts, x, W1)


@functools.partial(
    pl.kernel,
    out_type=(
        jax.ShapeDtypeStruct((2, NPAD, HALF), jnp.float32),
        jax.ShapeDtypeStruct((2, NTILES, NPAD), jnp.float32),
    ),
    mesh=_mesh,
    scratch_types=[
        pltpu.VMEM((BLK,), jnp.int32),
        pltpu.VMEM((BLK,), jnp.int32),
        pltpu.VMEM((SUB,), jnp.int32),
        pltpu.VMEM((SUB,), jnp.int32),
        pltpu.VMEM((SUB,), jnp.int32),
        pltpu.VMEM((SUB,), jnp.int32),
        pltpu.VMEM((SUB, HALF), jnp.float32),
        pltpu.VMEM((SUB, HALF), jnp.float32),
        pltpu.VMEM((NPAD,), jnp.float32),
        pltpu.VMEM((NPAD,), jnp.float32),
        pltpu.VMEM_SHARED((NPAD, HALF), jnp.float32),
        pltpu.SemaphoreType.DMA,
        pltpu.SemaphoreType.DMA,
        pltpu.SemaphoreType.DMA,
        pltpu.SemaphoreType.DMA,
    ],
    compiler_params=pltpu.CompilerParams(needs_layout_passes=False),
)
def _sc_aggregate(y2_hbm, rin_hbm, src_hbm, dst_hbm, zrows_hbm, u_hbm,
                  sparts_hbm,
                  srcb_v, dstb_v, gidx0_v, gidx1_v, sidx0_v, sidx1_v,
                  rows0_v, rows1_v, rin_v, sacc_v, uacc_sh,
                  sem0, sem1, ssem0, ssem1):
    c = lax.axis_index("c")
    s = lax.axis_index("s")
    base = s * EPT
    cbase = c * NPAD

    pltpu.sync_copy(rin_hbm, rin_v)

    def zero(i, carry):
        sacc_v[pl.ds(i * 16, 16)] = jnp.zeros((16,), jnp.float32)
        return carry

    lax.fori_loop(0, NPAD // 16, zero, 0)

    pltpu.sync_copy(zrows_hbm, uacc_sh.at[pl.ds(s * ROWS_PT, ROWS_PT), :])
    plsc.subcore_barrier()

    def load_blk(b):
        pltpu.sync_copy(src_hbm.at[pl.ds(base + b * BLK, BLK)], srcb_v)
        pltpu.sync_copy(dst_hbm.at[pl.ds(base + b * BLK, BLK)], dstb_v)

    def build(m, gidx_b, sidx_b):
        off = lax.rem(m, SPB) * SUB
        for j in range(SUB // 16):
            sv = srcb_v[pl.ds(off + j * 16, 16)]
            dv = dstb_v[pl.ds(off + j * 16, 16)]
            gidx_b[pl.ds(j * 16, 16)] = sv + cbase
            sidx_b[pl.ds(j * 16, 16)] = dv
            rv = plsc.load_gather(rin_v, [dv])
            plsc.addupdate_scatter(sacc_v, [sv], rv)

    def gather0():
        pltpu.async_copy(y2_hbm.at[gidx0_v], rows0_v, sem0)

    def gather1():
        pltpu.async_copy(y2_hbm.at[gidx1_v], rows1_v, sem1)

    def wait_g0():
        pltpu.make_async_copy(y2_hbm.at[gidx0_v], rows0_v, sem0).wait()

    def wait_g1():
        pltpu.make_async_copy(y2_hbm.at[gidx1_v], rows1_v, sem1).wait()

    def scatter0():
        pltpu.async_copy(rows0_v, uacc_sh.at[sidx0_v], ssem0, add=True)

    def scatter1():
        pltpu.async_copy(rows1_v, uacc_sh.at[sidx1_v], ssem1, add=True)

    def wait_s0():
        pltpu.make_async_copy(rows0_v, uacc_sh.at[sidx0_v], ssem0).wait()

    def wait_s1():
        pltpu.make_async_copy(rows1_v, uacc_sh.at[sidx1_v], ssem1).wait()

    load_blk(0)
    build(0, gidx0_v, sidx0_v)
    gather0()
    build(1, gidx1_v, sidx1_v)
    gather1()
    wait_g0()
    scatter0()
    wait_s0()
    build(2, gidx0_v, sidx0_v)
    gather0()
    wait_g1()
    scatter1()

    def step(i, carry):
        k = 2 * i
        wait_s1()
        build(k + 1, gidx1_v, sidx1_v)
        gather1()
        wait_g0()
        scatter0()
        wait_s0()

        @pl.when(lax.rem(k + 2, SPB) == 0)
        def _refresh():
            load_blk((k + 2) // SPB)

        build(k + 2, gidx0_v, sidx0_v)
        gather0()
        wait_g1()
        scatter1()
        return carry

    lax.fori_loop(1, (NSUB - 1) // 2, step, 0)

    wait_s1()
    wait_g0()
    pltpu.sync_copy(rows0_v, uacc_sh.at[sidx0_v], add=True)

    plsc.subcore_barrier()
    pltpu.sync_copy(uacc_sh.at[pl.ds(s * ROWS_PT, ROWS_PT), :],
                    u_hbm.at[c, pl.ds(s * ROWS_PT, ROWS_PT), :])
    pltpu.sync_copy(sacc_v, sparts_hbm.at[c, s])


def _tc_final_body(u_ref, rin_ref, rout_ref, sparts_ref, b1_ref, w2_ref,
                   b2_ref, out_ref, acc_ref):
    i = pl.program_id(0)

    @pl.when(i == 0)
    def _init():
        acc_ref[...] = jnp.zeros_like(acc_ref)

    rin = rin_ref[...]
    svals = jnp.sum(sparts_ref[...], axis=(0, 1)) * 0.5
    cw = rout_ref[...] * svals
    b1 = b1_ref[...]
    ub = u_ref[...]
    h0 = jnp.maximum(rin[:, None] * ub[0] + b1[:, :HALF], 0.0)
    h1 = jnp.maximum(rin[:, None] * ub[1] + b1[:, HALF:], 0.0)
    t0 = jnp.dot(cw[None, :], h0, preferred_element_type=jnp.float32)
    t1 = jnp.dot(cw[None, :], h1, preferred_element_type=jnp.float32)
    acc_ref[:, :HALF] += t0
    acc_ref[:, HALF:] += t1

    @pl.when(i == pl.num_programs(0) - 1)
    def _fin():
        t = acc_ref[...]
        out_ref[...] = (jnp.dot(t, w2_ref[...],
                                preferred_element_type=jnp.float32) / N
                        + b2_ref[...])


def _tc_final(u, rin, rout, sparts, b1, W2, b2):
    BN = 512
    grid = (NPAD // BN,)
    nc = W2.shape[1]
    return pl.pallas_call(
        _tc_final_body,
        grid=grid,
        in_specs=[
            pl.BlockSpec((2, BN, HALF), lambda i: (0, i, 0)),
            pl.BlockSpec((BN,), lambda i: (i,)),
            pl.BlockSpec((BN,), lambda i: (i,)),
            pl.BlockSpec((2, NTILES, BN), lambda i: (0, 0, i)),
            pl.BlockSpec((1, F), lambda i: (0, 0)),
            pl.BlockSpec((F, nc), lambda i: (0, 0)),
            pl.BlockSpec((1, nc), lambda i: (0, 0)),
        ],
        out_specs=pl.BlockSpec((1, nc), lambda i: (0, 0)),
        out_shape=jax.ShapeDtypeStruct((1, nc), jnp.float32),
        scratch_shapes=[pltpu.VMEM((1, F), jnp.float32)],
    )(u, rin, rout, sparts, b1, W2, b2)


def kernel(in_feat, edge_index, W1, b1, W2, b2):
    src = edge_index[0].astype(jnp.int32)
    dst = edge_index[1].astype(jnp.int32)

    deg_parts = _sc_degrees(src, dst)
    y, rin, rout = _tc_scale_matmul(deg_parts, in_feat, W1)
    y2 = y.reshape(2 * NPAD, HALF)
    zrows = jnp.zeros((ROWS_PT, HALF), jnp.float32)
    u, sparts = _sc_aggregate(y2, rin, src, dst, zrows)
    return _tc_final(u, rin, rout, sparts, b1.reshape(1, F), W2,
                     b2.reshape(1, -1))

# --- scband reference (transcript-rebuilt; emitter-appended) ---
"""Pipeline reference for scband-gcn-43791486550498 (READ-ONLY COPY).

The authoritative reference and input builder live on the scoring server;
editing this copy changes nothing except your own understanding.
"""

import jax, jax.numpy as jnp
import numpy as np

N = 10000
E = 160000
IN_FEATS = 256
H_FEATS = 256
NUM_CLASSES = 64


def setup_inputs(seed: int = 0) -> dict:
    key = jax.random.key(seed)
    k1, k2, k3, k4, k5, k6 = jax.random.split(key, 6)
    in_feat = jax.random.normal(k1, (N, IN_FEATS), dtype=jnp.float32)
    edge_index = jax.random.randint(k2, (2, E), 0, N, dtype=jnp.int32)
    # GraphConv layer 1 params (Glorot-style scale)
    W1 = jax.random.normal(k3, (IN_FEATS, H_FEATS), dtype=jnp.float32) * (1.0 / np.sqrt(IN_FEATS))
    b1 = jnp.zeros((H_FEATS,), dtype=jnp.float32)
    # GraphConv layer 2 params
    W2 = jax.random.normal(k4, (H_FEATS, NUM_CLASSES), dtype=jnp.float32) * (1.0 / np.sqrt(H_FEATS))
    b2 = jnp.zeros((NUM_CLASSES,), dtype=jnp.float32)
    return {"in_feat": in_feat, "edge_index": edge_index, "W1": W1, "b1": b1, "W2": W2, "b2": b2}


def _graph_conv(x, src, dst, W, b, n_nodes):
    # DGL GraphConv with norm='both':
    #   h_dst = D_in^{-1/2} * sum_{(u->v) in E} (D_out^{-1/2} h_u) ; then linear + bias
    deg_out = jnp.clip(jnp.bincount(src, length=n_nodes).astype(x.dtype), 1.0, None)
    deg_in = jnp.clip(jnp.bincount(dst, length=n_nodes).astype(x.dtype), 1.0, None)
    h = x * (deg_out ** -0.5)[:, None]
    msg = jnp.take(h, src, axis=0)
    agg = jax.ops.segment_sum(msg, dst, num_segments=n_nodes)
    agg = agg * (deg_in ** -0.5)[:, None]
    return agg @ W + b


def reference(in_feat, edge_index, W1, b1, W2, b2):
    src = edge_index[0]
    dst = edge_index[1]
    n_nodes = in_feat.shape[0]
    h = _graph_conv(in_feat, src, dst, W1, b1, n_nodes)
    h = jax.nn.relu(h)
    h = _graph_conv(h, src, dst, W2, b2, n_nodes)
    # dgl.mean_nodes over a single graph -> [1, num_classes]
    return jnp.mean(h, axis=0, keepdims=True)

if __name__ == "__main__":
    import jax
    _d = setup_inputs()
    print(jax.jit(kernel)(*tuple(_d.values())))

</pallas_src>

<mosaic_0001>
#map = affine_map<(d0, d1) -> (0)>
#map1 = affine_map<(d0, d1) -> (0, 0, 0)>
module attributes {stable_mosaic.version = 14 : i64} {
  func.func @_sc_degrees(%arg0: i32, %arg1: i32, %arg2: memref<160000xi32, #tpu.memory_space<hbm>>, %arg3: memref<160000xi32, #tpu.memory_space<hbm>>, %arg4: memref<2x16x10240xf32, #tpu.memory_space<hbm>>, %arg5: memref<10000xi32, #tpu.memory_space<vmem>>, %arg6: memref<10240xf32, #tpu.memory_space<vmem>>) attributes {dimension_semantics = [#tpu.dimension_semantics<core_parallel>, #tpu.dimension_semantics<subcore_parallel>], iteration_bounds = array<i64: 2, 16>, scalar_prefetch = 0 : i64, scratch_operands = 2 : i64, tpu.core_type = #tpu.core_type<sc_vector_subcore>, window_params = [{transform_indices = #map}, {transform_indices = #map}, {transform_indices = #map1}]} {
    %eq3A = arith.constant 0 : i32
    %eq3A_0 = arith.cmpi eq, %arg0, %eq3A : i32
    %convert_element_type3A = arith.extui %eq3A_0 : i1 to i32
    %cond3A = arith.constant 0 : i32
    %cond3A_1 = arith.cmpi ne, %convert_element_type3A, %cond3A : i32
    scf.if %cond3A_1 {
      %mul3A = arith.constant 10000 : i32
      %mul3A_19 = arith.muli %arg1, %mul3A : i32
      "tpu.region"() ({
        %run_scoped3A = tpu.sem_alloc : memref<!tpu.dma_semaphore, #tpu.memory_space<semaphore_mem>>
        %dma_start3A = tpu.memref_slice %arg2[%mul3A_19] : memref<160000xi32, #tpu.memory_space<hbm>> -> memref<10000xi32, #tpu.memory_space<hbm>>
        %dma_start3A_20 = tpu.memref_slice %arg2[%mul3A_19] : memref<160000xi32, #tpu.memory_space<hbm>> -> memref<10000xi32, #tpu.memory_space<hbm>>
        tpu.enqueue_dma source(%dma_start3A_20 : memref<10000xi32, #tpu.memory_space<hbm>>) target(%arg5 : memref<10000xi32, #tpu.memory_space<vmem>>) target_semaphore(%run_scoped3A : memref<!tpu.dma_semaphore, #tpu.memory_space<semaphore_mem>>)
        %dma_wait3A = tpu.memref_slice %arg2[%mul3A_19] : memref<160000xi32, #tpu.memory_space<hbm>> -> memref<10000xi32, #tpu.memory_space<hbm>>
        %dma_wait3A_21 = tpu.memref_slice %arg2[%mul3A_19] : memref<160000xi32, #tpu.memory_space<hbm>> -> memref<10000xi32, #tpu.memory_space<hbm>>
        tpu.wait_dma2 semaphore(%run_scoped3A : memref<!tpu.dma_semaphore, #tpu.memory_space<semaphore_mem>>) src(%dma_wait3A_21 : memref<10000xi32, #tpu.memory_space<hbm>>) dst(%arg5 : memref<10000xi32, #tpu.memory_space<vmem>>)
        tpu.yield
      }) : () -> ()
    } else {
    }
    %eq3A_2 = arith.constant 1 : i32
    %eq3A_3 = arith.cmpi eq, %arg0, %eq3A_2 : i32
    %convert_element_type3A_4 = arith.extui %eq3A_3 : i1 to i32
    %cond3A_5 = arith.constant 0 : i32
    %cond3A_6 = arith.cmpi ne, %convert_element_type3A_4, %cond3A_5 : i32
    scf.if %cond3A_6 {
      %mul3A = arith.constant 10000 : i32
      %mul3A_19 = arith.muli %arg1, %mul3A : i32
      "tpu.region"() ({
        %run_scoped3A = tpu.sem_alloc : memref<!tpu.dma_semaphore, #tpu.memory_space<semaphore_mem>>
        %dma_start3A = tpu.memref_slice %arg3[%mul3A_19] : memref<160000xi32, #tpu.memory_space<hbm>> -> memref<10000xi32, #tpu.memory_space<hbm>>
        %dma_start3A_20 = tpu.memref_slice %arg3[%mul3A_19] : memref<160000xi32, #tpu.memory_space<hbm>> -> memref<10000xi32, #tpu.memory_space<hbm>>
        tpu.enqueue_dma source(%dma_start3A_20 : memref<10000xi32, #tpu.memory_space<hbm>>) target(%arg5 : memref<10000xi32, #tpu.memory_space<vmem>>) target_semaphore(%run_scoped3A : memref<!tpu.dma_semaphore, #tpu.memory_space<semaphore_mem>>)
        %dma_wait3A = tpu.memref_slice %arg3[%mul3A_19] : memref<160000xi32, #tpu.memory_space<hbm>> -> memref<10000xi32, #tpu.memory_space<hbm>>
        %dma_wait3A_21 = tpu.memref_slice %arg3[%mul3A_19] : memref<160000xi32, #tpu.memory_space<hbm>> -> memref<10000xi32, #tpu.memory_space<hbm>>
        tpu.wait_dma2 semaphore(%run_scoped3A : memref<!tpu.dma_semaphore, #tpu.memory_space<semaphore_mem>>) src(%dma_wait3A_21 : memref<10000xi32, #tpu.memory_space<hbm>>) dst(%arg5 : memref<10000xi32, #tpu.memory_space<vmem>>)
        tpu.yield
      }) : () -> ()
    } else {
    }
    %scan3A = arith.constant 0 : i32
    %scan3A_7 = arith.constant 0 : i32
    %scan3A_8 = arith.constant 640 : i32
    %scan3A_9 = arith.addi %scan3A_7, %scan3A_8 : i32
    %scan3A_10 = arith.constant 1 : i32
    scf.for %scan3A_19 = %scan3A_7 to %scan3A_9 step %scan3A_10  : i32 {
      %broadcast_in_dim3A_20 = arith.constant 0.000000e+00 : f32
      %broadcast_in_dim3A_21 = vector.broadcast %broadcast_in_dim3A_20 : f32 to vector<16xf32>
      %mul3A = arith.constant 16 : i32
      %mul3A_22 = arith.muli %scan3A_19, %mul3A : i32
      %swap3A = arith.index_cast %mul3A_22 : i32 to index
      %swap3A_23 = tpu.vector_load %arg6[%swap3A] {strides = array<i32>} : memref<10240xf32, #tpu.memory_space<vmem>>, vector<16xf32>,
      tpu.vector_store %arg6[%swap3A], %broadcast_in_dim3A_21 {strides = array<i32>} : memref<10240xf32, #tpu.memory_space<vmem>>, vector<16xf32>,
    }
    %scan3A_11 = arith.constant 640 : i32
    %broadcast_in_dim3A = arith.constant 1.000000e+00 : f32
    %broadcast_in_dim3A_12 = vector.broadcast %broadcast_in_dim3A : f32 to vector<16xf32>
    %scan3A_13 = arith.constant 0 : i32
    %scan3A_14 = arith.constant 0 : i32
    %scan3A_15 = arith.constant 625 : i32
    %scan3A_16 = arith.addi %scan3A_14, %scan3A_15 : i32
    %scan3A_17 = arith.constant 1 : i32
    scf.for %scan3A_19 = %scan3A_14 to %scan3A_16 step %scan3A_17  : i32 {
      %mul3A = arith.constant 16 : i32
      %mul3A_20 = arith.muli %scan3A_19, %mul3A : i32
      %get3A = arith.index_cast %mul3A_20 : i32 to index
      %get3A_21 = tpu.vector_load %arg5[%get3A] {strides = array<i32>} : memref<10000xi32, #tpu.memory_space<vmem>>, vector<16xi32>,
      tpu.vector_store_idx %arg6[%get3A_21], %broadcast_in_dim3A_12 {add = true} : memref<10240xf32, #tpu.memory_space<vmem>>[vector<16xi32>], vector<16xf32>,
    }
    %scan3A_18 = arith.constant 625 : i32
    "tpu.region"() ({
      %run_scoped3A = tpu.sem_alloc : memref<!tpu.dma_semaphore, #tpu.memory_space<semaphore_mem>>
      %dma_start3A = arith.constant 0 : i32
      %dma_start3A_19 = tpu.memref_slice %arg4[%arg0, %arg1, %dma_start3A] : memref<2x16x10240xf32, #tpu.memory_space<hbm>> -> memref<1x1x10240xf32, #tpu.memory_space<hbm>>
      %dma_start3A_20 = tpu.memref_squeeze %dma_start3A_19 : memref<1x1x10240xf32, #tpu.memory_space<hbm>> -> memref<10240xf32, #tpu.memory_space<hbm>>
      %dma_start3A_21 = arith.constant 0 : i32
      %dma_start3A_22 = tpu.memref_slice %arg4[%arg0, %arg1, %dma_start3A_21] : memref<2x16x10240xf32, #tpu.memory_space<hbm>> -> memref<1x1x10240xf32, #tpu.memory_space<hbm>>
      %dma_start3A_23 = tpu.memref_squeeze %dma_start3A_22 : memref<1x1x10240xf32, #tpu.memory_space<hbm>> -> memref<10240xf32, #tpu.memory_space<hbm>>
      tpu.enqueue_dma source(%arg6 : memref<10240xf32, #tpu.memory_space<vmem>>) target(%dma_start3A_23 : memref<10240xf32, #tpu.memory_space<hbm>>) target_semaphore(%run_scoped3A : memref<!tpu.dma_semaphore, #tpu.memory_space<semaphore_mem>>)
      %dma_wait3A = arith.constant 0 : i32
      %dma_wait3A_24 = tpu.memref_slice %arg4[%arg0, %arg1, %dma_wait3A] : memref<2x16x10240xf32, #tpu.memory_space<hbm>> -> memref<1x1x10240xf32, #tpu.memory_space<hbm>>
      %dma_wait3A_25 = tpu.memref_squeeze %dma_wait3A_24 : memref<1x1x10240xf32, #tpu.memory_space<hbm>> -> memref<10240xf32, #tpu.memory_space<hbm>>
      %dma_wait3A_26 = arith.constant 0 : i32
      %dma_wait3A_27 = tpu.memref_slice %arg4[%arg0, %arg1, %dma_wait3A_26] : memref<2x16x10240xf32, #tpu.memory_space<hbm>> -> memref<1x1x10240xf32, #tpu.memory_space<hbm>>
      %dma_wait3A_28 = tpu.memref_squeeze %dma_wait3A_27 : memref<1x1x10240xf32, #tpu.memory_space<hbm>> -> memref<10240xf32, #tpu.memory_space<hbm>>
      tpu.wait_dma2 semaphore(%run_scoped3A : memref<!tpu.dma_semaphore, #tpu.memory_space<semaphore_mem>>) src(%arg6 : memref<10240xf32, #tpu.memory_space<vmem>>) dst(%dma_wait3A_28 : memref<10240xf32, #tpu.memory_space<hbm>>)
      tpu.yield
    }) : () -> ()
    return
  }
}

#map = affine_map<(d0, d1) -> (0, 0)>
#map1 = affine_map<(d0, d1) -> (0)>
#map2 = affine_map<(d0, d1) -> (0, 0, 0)>
module attributes {stable_mosaic.version = 14 : i64} {
  func.func @_sc_aggregate(%arg0: i32, %arg1: i32, %arg2: memref<20480x128xf32, #tpu.memory_space<hbm>>, %arg3: memref<10240xf32, #tpu.memory_space<hbm>>, %arg4: memref<160000xi32, #tpu.memory_space<hbm>>, %arg5: memref<160000xi32, #tpu.memory_space<hbm>>, %arg6: memref<640x128xf32, #tpu.memory_space<hbm>>, %arg7: memref<2x10240x128xf32, #tpu.memory_space<hbm>>, %arg8: memref<2x16x10240xf32, #tpu.memory_space<hbm>>, %arg9: memref<1600xi32, #tpu.memory_space<vmem>>, %arg10: memref<1600xi32, #tpu.memory_space<vmem>>, %arg11: memref<80xi32, #tpu.memory_space<vmem>>, %arg12: memref<80xi32, #tpu.memory_space<vmem>>, %arg13: memref<80xi32, #tpu.memory_space<vmem>>, %arg14: memref<80xi32, #tpu.memory_space<vmem>>, %arg15: memref<80x128xf32, #tpu.memory_space<vmem>>, %arg16: memref<80x128xf32, #tpu.memory_space<vmem>>, %arg17: memref<10240xf32, #tpu.memory_space<vmem>>, %arg18: memref<10240xf32, #tpu.memory_space<vmem>>, %arg19: memref<10240x128xf32, #tpu.memory_space<vmem_shared>>, %arg20: memref<!tpu.dma_semaphore, #tpu.memory_space<semaphore_mem>>, %arg21: memref<!tpu.dma_semaphore, #tpu.memory_space<semaphore_mem>>, %arg22: memref<!tpu.dma_semaphore, #tpu.memory_space<semaphore_mem>>, %arg23: memref<!tpu.dma_semaphore, #tpu.memory_space<semaphore_mem>>) attributes {dimension_semantics = [#tpu.dimension_semantics<core_parallel>, #tpu.dimension_semantics<subcore_parallel>], iteration_bounds = array<i64: 2, 16>, scalar_prefetch = 0 : i64, scratch_operands = 15 : i64, tpu.core_type = #tpu.core_type<sc_vector_subcore>, window_params = [{transform_indices = #map}, {transform_indices = #map1}, {transform_indices = #map1}, {transform_indices = #map1}, {transform_indices = #map}, {transform_indices = #map2}, {transform_indices = #map2}]} {
    %mul3A = arith.constant 10000 : i32
    %mul3A_0 = arith.muli %arg1, %mul3A : i32
    %mul3A_1 = arith.constant 10240 : i32
    %mul3A_2 = arith.muli %arg0, %mul3A_1 : i32
    "tpu.region"() ({
      %run_scoped3A = tpu.sem_alloc : memref<!tpu.dma_semaphore, #tpu.memory_space<semaphore_mem>>
      tpu.enqueue_dma source(%arg3 : memref<10240xf32, #tpu.memory_space<hbm>>) target(%arg17 : memref<10240xf32, #tpu.memory_space<vmem>>) target_semaphore(%run_scoped3A : memref<!tpu.dma_semaphore, #tpu.memory_space<semaphore_mem>>)
      tpu.wait_dma2 semaphore(%run_scoped3A : memref<!tpu.dma_semaphore, #tpu.memory_space<semaphore_mem>>) src(%arg3 : memref<10240xf32, #tpu.memory_space<hbm>>) dst(%arg17 : memref<10240xf32, #tpu.memory_space<vmem>>)
      tpu.yield
    }) : () -> ()
    %scan3A = arith.constant 0 : i32
    %scan3A_3 = arith.constant 0 : i32
    %scan3A_4 = arith.constant 640 : i32
    %scan3A_5 = arith.addi %scan3A_3, %scan3A_4 : i32
    %scan3A_6 = arith.constant 1 : i32
    scf.for %scan3A_288 = %scan3A_3 to %scan3A_5 step %scan3A_6  : i32 {
      %broadcast_in_dim3A = arith.constant 0.000000e+00 : f32
      %broadcast_in_dim3A_289 = vector.broadcast %broadcast_in_dim3A : f32 to vector<16xf32>
      %mul3A_290 = arith.constant 16 : i32
      %mul3A_291 = arith.muli %scan3A_288, %mul3A_290 : i32
      %swap3A_292 = arith.index_cast %mul3A_291 : i32 to index
      %swap3A_293 = tpu.vector_load %arg18[%swap3A_292] {strides = array<i32>} : memref<10240xf32, #tpu.memory_space<vmem>>, vector<16xf32>,
      tpu.vector_store %arg18[%swap3A_292], %broadcast_in_dim3A_289 {strides = array<i32>} : memref<10240xf32, #tpu.memory_space<vmem>>, vector<16xf32>,
    }
    %scan3A_7 = arith.constant 640 : i32
    %mul3A_8 = arith.constant 640 : i32
    %mul3A_9 = arith.muli %arg1, %mul3A_8 : i32
    "tpu.region"() ({
      %run_scoped3A = tpu.sem_alloc : memref<!tpu.dma_semaphore, #tpu.memory_space<semaphore_mem>>
      %dma_start3A_288 = arith.constant 0 : i32
      %dma_start3A_289 = tpu.memref_slice %arg19[%mul3A_9, %dma_start3A_288] : memref<10240x128xf32, #tpu.memory_space<vmem_shared>> -> memref<640x128xf32, #tpu.memory_space<vmem_shared>>
      tpu.enqueue_dma source(%arg6 : memref<640x128xf32, #tpu.memory_space<hbm>>) target(%dma_start3A_289 : memref<640x128xf32, #tpu.memory_space<vmem_shared>>) target_semaphore(%run_scoped3A : memref<!tpu.dma_semaphore, #tpu.memory_space<semaphore_mem>>)
      %dma_wait3A_290 = arith.constant 0 : i32
      %dma_wait3A_291 = tpu.memref_slice %arg19[%mul3A_9, %dma_wait3A_290] : memref<10240x128xf32, #tpu.memory_space<vmem_shared>> -> memref<640x128xf32, #tpu.memory_space<vmem_shared>>
      tpu.wait_dma2 semaphore(%run_scoped3A : memref<!tpu.dma_semaphore, #tpu.memory_space<semaphore_mem>>) src(%arg6 : memref<640x128xf32, #tpu.memory_space<hbm>>) dst(%dma_wait3A_291 : memref<640x128xf32, #tpu.memory_space<vmem_shared>>)
      tpu.yield
    }) : () -> ()
    %barrier3A = arith.constant 0 : index
    tpu.barrier barrier_id(%barrier3A)
    %add3A = arith.constant 0 : i32
    %add3A_10 = arith.addi %mul3A_0, %add3A : i32
    "tpu.region"() ({
      %run_scoped3A = tpu.sem_alloc : memref<!tpu.dma_semaphore, #tpu.memory_space<semaphore_mem>>
      %dma_start3A_288 = tpu.memref_slice %arg4[%add3A_10] : memref<160000xi32, #tpu.memory_space<hbm>> -> memref<1600xi32, #tpu.memory_space<hbm>>
      %dma_start3A_289 = tpu.memref_slice %arg4[%add3A_10] : memref<160000xi32, #tpu.memory_space<hbm>> -> memref<1600xi32, #tpu.memory_space<hbm>>
      tpu.enqueue_dma source(%dma_start3A_289 : memref<1600xi32, #tpu.memory_space<hbm>>) target(%arg9 : memref<1600xi32, #tpu.memory_space<vmem>>) target_semaphore(%run_scoped3A : memref<!tpu.dma_semaphore, #tpu.memory_space<semaphore_mem>>)
      %dma_wait3A_290 = tpu.memref_slice %arg4[%add3A_10] : memref<160000xi32, #tpu.memory_space<hbm>> -> memref<1600xi32, #tpu.memory_space<hbm>>
      %dma_wait3A_291 = tpu.memref_slice %arg4[%add3A_10] : memref<160000xi32, #tpu.memory_space<hbm>> -> memref<1600xi32, #tpu.memory_space<hbm>>
      tpu.wait_dma2 semaphore(%run_scoped3A : memref<!tpu.dma_semaphore, #tpu.memory_space<semaphore_mem>>) src(%dma_wait3A_291 : memref<1600xi32, #tpu.memory_space<hbm>>) dst(%arg9 : memref<1600xi32, #tpu.memory_space<vmem>>)
      tpu.yield
    }) : () -> ()
    %add3A_11 = arith.constant 0 : i32
    %add3A_12 = arith.addi %mul3A_0, %add3A_11 : i32
    "tpu.region"() ({
      %run_scoped3A = tpu.sem_alloc : memref<!tpu.dma_semaphore, #tpu.memory_space<semaphore_mem>>
      %dma_start3A_288 = tpu.memref_slice %arg5[%add3A_12] : memref<160000xi32, #tpu.memory_space<hbm>> -> memref<1600xi32, #tpu.memory_space<hbm>>
      %dma_start3A_289 = tpu.memref_slice %arg5[%add3A_12] : memref<160000xi32, #tpu.memory_space<hbm>> -> memref<1600xi32, #tpu.memory_space<hbm>>
      tpu.enqueue_dma source(%dma_start3A_289 : memref<1600xi32, #tpu.memory_space<hbm>>) target(%arg10 : memref<1600xi32, #tpu.memory_space<vmem>>) target_semaphore(%run_scoped3A : memref<!tpu.dma_semaphore, #tpu.memory_space<semaphore_mem>>)
      %dma_wait3A_290 = tpu.memref_slice %arg5[%add3A_12] : memref<160000xi32, #tpu.memory_space<hbm>> -> memref<1600xi32, #tpu.memory_space<hbm>>
      %dma_wait3A_291 = tpu.memref_slice %arg5[%add3A_12] : memref<160000xi32, #tpu.memory_space<hbm>> -> memref<1600xi32, #tpu.memory_space<hbm>>
      tpu.wait_dma2 semaphore(%run_scoped3A : memref<!tpu.dma_semaphore, #tpu.memory_space<semaphore_mem>>) src(%dma_wait3A_291 : memref<1600xi32, #tpu.memory_space<hbm>>) dst(%arg10 : memref<1600xi32, #tpu.memory_space<vmem>>)
      tpu.yield
    }) : () -> ()
    %rem3A = arith.constant 0 : i32
    %rem3A_13 = arith.constant 20 : i32
    %rem3A_14 = arith.remsi %rem3A, %rem3A_13 : i32
    %mul3A_15 = arith.constant 80 : i32
    %mul3A_16 = arith.muli %rem3A_14, %mul3A_15 : i32
    %add3A_17 = arith.constant 0 : i32
    %add3A_18 = arith.addi %mul3A_16, %add3A_17 : i32
    %get3A = arith.index_cast %add3A_18 : i32 to index
    %get3A_19 = tpu.vector_load %arg9[%get3A] {strides = array<i32>} : memref<1600xi32, #tpu.memory_space<vmem>>, vector<16xi32>,
    %add3A_20 = arith.constant 0 : i32
    %add3A_21 = arith.addi %mul3A_16, %add3A_20 : i32
    %get3A_22 = arith.index_cast %add3A_21 : i32 to index
    %get3A_23 = tpu.vector_load %arg10[%get3A_22] {strides = array<i32>} : memref<1600xi32, #tpu.memory_space<vmem>>, vector<16xi32>,
    %add3A_24 = vector.broadcast %mul3A_2 : i32 to vector<16xi32>
    %add3A_25 = arith.addi %get3A_19, %add3A_24 : vector<16xi32>
    %swap3A = arith.constant 0 : index
    %swap3A_26 = tpu.vector_load %arg11[%swap3A] {strides = array<i32>} : memref<80xi32, #tpu.memory_space<vmem>>, vector<16xi32>,
    tpu.vector_store %arg11[%swap3A], %add3A_25 {strides = array<i32>} : memref<80xi32, #tpu.memory_space<vmem>>, vector<16xi32>,
    %swap3A_27 = arith.constant 0 : index
    %swap3A_28 = tpu.vector_load %arg13[%swap3A_27] {strides = array<i32>} : memref<80xi32, #tpu.memory_space<vmem>>, vector<16xi32>,
    tpu.vector_store %arg13[%swap3A_27], %get3A_23 {strides = array<i32>} : memref<80xi32, #tpu.memory_space<vmem>>, vector<16xi32>,
    %gather3A = tpu.vector_load_idx %arg17[%get3A_23] : memref<10240xf32, #tpu.memory_space<vmem>>[vector<16xi32>], vector<16xf32>,
    tpu.vector_store_idx %arg18[%get3A_19], %gather3A {add = true} : memref<10240xf32, #tpu.memory_space<vmem>>[vector<16xi32>], vector<16xf32>,
    %add3A_29 = arith.constant 16 : i32
    %add3A_30 = arith.addi %mul3A_16, %add3A_29 : i32
    %get3A_31 = arith.index_cast %add3A_30 : i32 to index
    %get3A_32 = tpu.vector_load %arg9[%get3A_31] {strides = array<i32>} : memref<1600xi32, #tpu.memory_space<vmem>>, vector<16xi32>,
    %add3A_33 = arith.constant 16 : i32
    %add3A_34 = arith.addi %mul3A_16, %add3A_33 : i32
    %get3A_35 = arith.index_cast %add3A_34 : i32 to index
    %get3A_36 = tpu.vector_load %arg10[%get3A_35] {strides = array<i32>} : memref<1600xi32, #tpu.memory_space<vmem>>, vector<16xi32>,
    %add3A_37 = vector.broadcast %mul3A_2 : i32 to vector<16xi32>
    %add3A_38 = arith.addi %get3A_32, %add3A_37 : vector<16xi32>
    %swap3A_39 = arith.constant 16 : index
    %swap3A_40 = tpu.vector_load %arg11[%swap3A_39] {strides = array<i32>} : memref<80xi32, #tpu.memory_space<vmem>>, vector<16xi32>,
    tpu.vector_store %arg11[%swap3A_39], %add3A_38 {strides = array<i32>} : memref<80xi32, #tpu.memory_space<vmem>>, vector<16xi32>,
    %swap3A_41 = arith.constant 16 : index
    %swap3A_42 = tpu.vector_load %arg13[%swap3A_41] {strides = array<i32>} : memref<80xi32, #tpu.memory_space<vmem>>, vector<16xi32>,
    tpu.vector_store %arg13[%swap3A_41], %get3A_36 {strides = array<i32>} : memref<80xi32, #tpu.memory_space<vmem>>, vector<16xi32>,
    %gather3A_43 = tpu.vector_load_idx %arg17[%get3A_36] : memref<10240xf32, #tpu.memory_space<vmem>>[vector<16xi32>], vector<16xf32>,
    tpu.vector_store_idx %arg18[%get3A_32], %gather3A_43 {add = true} : memref<10240xf32, #tpu.memory_space<vmem>>[vector<16xi32>], vector<16xf32>,
    %add3A_44 = arith.constant 32 : i32
    %add3A_45 = arith.addi %mul3A_16, %add3A_44 : i32
    %get3A_46 = arith.index_cast %add3A_45 : i32 to index
    %get3A_47 = tpu.vector_load %arg9[%get3A_46] {strides = array<i32>} : memref<1600xi32, #tpu.memory_space<vmem>>, vector<16xi32>,
    %add3A_48 = arith.constant 32 : i32
    %add3A_49 = arith.addi %mul3A_16, %add3A_48 : i32
    %get3A_50 = arith.index_cast %add3A_49 : i32 to index
    %get3A_51 = tpu.vector_load %arg10[%get3A_50] {strides = array<i32>} : memref<1600xi32, #tpu.memory_space<vmem>>, vector<16xi32>,
    %add3A_52 = vector.broadcast %mul3A_2 : i32 to vector<16xi32>
    %add3A_53 = arith.addi %get3A_47, %add3A_52 : vector<16xi32>
    %swap3A_54 = arith.constant 32 : index
    %swap3A_55 = tpu.vector_load %arg11[%swap3A_54] {strides = array<i32>} : memref<80xi32, #tpu.memory_space<vmem>>, vector<16xi32>,
    tpu.vector_store %arg11[%swap3A_54], %add3A_53 {strides = array<i32>} : memref<80xi32, #tpu.memory_space<vmem>>, vector<16xi32>,
    %swap3A_56 = arith.constant 32 : index
    %swap3A_57 = tpu.vector_load %arg13[%swap3A_56] {strides = array<i32>} : memref<80xi32, #tpu.memory_space<vmem>>, vector<16xi32>,
    tpu.vector_store %arg13[%swap3A_56], %get3A_51 {strides = array<i32>} : memref<80xi32, #tpu.memory_space<vmem>>, vector<16xi32>,
    %gather3A_58 = tpu.vector_load_idx %arg17[%get3A_51] : memref<10240xf32, #tpu.memory_space<vmem>>[vector<16xi32>], vector<16xf32>,
    tpu.vector_store_idx %arg18[%get3A_47], %gather3A_58 {add = true} : memref<10240xf32, #tpu.memory_space<vmem>>[vector<16xi32>], vector<16xf32>,
    %add3A_59 = arith.constant 48 : i32
    %add3A_60 = arith.addi %mul3A_16, %add3A_59 : i32
    %get3A_61 = arith.index_cast %add3A_60 : i32 to index
    %get3A_62 = tpu.vector_load %arg9[%get3A_61] {strides = array<i32>} : memref<1600xi32, #tpu.memory_space<vmem>>, vector<16xi32>,
    %add3A_63 = arith.constant 48 : i32
    %add3A_64 = arith.addi %mul3A_16, %add3A_63 : i32
    %get3A_65 = arith.index_cast %add3A_64 : i32 to index
    %get3A_66 = tpu.vector_load %arg10[%get3A_65] {strides = array<i32>} : memref<1600xi32, #tpu.memory_space<vmem>>, vector<16xi32>,
    %add3A_67 = vector.broadcast %mul3A_2 : i32 to vector<16xi32>
    %add3A_68 = arith.addi %get3A_62, %add3A_67 : vector<16xi32>
    %swap3A_69 = arith.constant 48 : index
    %swap3A_70 = tpu.vector_load %arg11[%swap3A_69] {strides = array<i32>} : memref<80xi32, #tpu.memory_space<vmem>>, vector<16xi32>,
    tpu.vector_store %arg11[%swap3A_69], %add3A_68 {strides = array<i32>} : memref<80xi32, #tpu.memory_space<vmem>>, vector<16xi32>,
    %swap3A_71 = arith.constant 48 : index
    %swap3A_72 = tpu.vector_load %arg13[%swap3A_71] {strides = array<i32>} : memref<80xi32, #tpu.memory_space<vmem>>, vector<16xi32>,
    tpu.vector_store %arg13[%swap3A_71], %get3A_66 {strides = array<i32>} : memref<80xi32, #tpu.memory_space<vmem>>, vector<16xi32>,
    %gather3A_73 = tpu.vector_load_idx %arg17[%get3A_66] : memref<10240xf32, #tpu.memory_space<vmem>>[vector<16xi32>], vector<16xf32>,
    tpu.vector_store_idx %arg18[%get3A_62], %gather3A_73 {add = true} : memref<10240xf32, #tpu.memory_space<vmem>>[vector<16xi32>], vector<16xf32>,
    %add3A_74 = arith.constant 64 : i32
    %add3A_75 = arith.addi %mul3A_16, %add3A_74 : i32
    %get3A_76 = arith.index_cast %add3A_75 : i32 to index
    %get3A_77 = tpu.vector_load %arg9[%get3A_76] {strides = array<i32>} : memref<1600xi32, #tpu.memory_space<vmem>>, vector<16xi32>,
    %add3A_78 = arith.constant 64 : i32
    %add3A_79 = arith.addi %mul3A_16, %add3A_78 : i32
    %get3A_80 = arith.index_cast %add3A_79 : i32 to index
    %get3A_81 = tpu.vector_load %arg10[%get3A_80] {strides = array<i32>} : memref<1600xi32, #tpu.memory_space<vmem>>, vector<16xi32>,
    %add3A_82 = vector.broadcast %mul3A_2 : i32 to vector<16xi32>
    %add3A_83 = arith.addi %get3A_77, %add3A_82 : vector<16xi32>
    %swap3A_84 = arith.constant 64 : index
    %swap3A_85 = tpu.vector_load %arg11[%swap3A_84] {strides = array<i32>} : memref<80xi32, #tpu.memory_space<vmem>>, vector<16xi32>,
    tpu.vector_store %arg11[%swap3A_84], %add3A_83 {strides = array<i32>} : memref<80xi32, #tpu.memory_space<vmem>>, vector<16xi32>,
    %swap3A_86 = arith.constant 64 : index
    %swap3A_87 = tpu.vector_load %arg13[%swap3A_86] {strides = array<i32>} : memref<80xi32, #tpu.memory_space<vmem>>, vector<16xi32>,
    tpu.vector_store %arg13[%swap3A_86], %get3A_81 {strides = array<i32>} : memref<80xi32, #tpu.memory_space<vmem>>, vector<16xi32>,
    %gather3A_88 = tpu.vector_load_idx %arg17[%get3A_81] : memref<10240xf32, #tpu.memory_space<vmem>>[vector<16xi32>], vector<16xf32>,
    tpu.vector_store_idx %arg18[%get3A_77], %gather3A_88 {add = true} : memref<10240xf32, #tpu.memory_space<vmem>>[vector<16xi32>], vector<16xf32>,
    %dma_start3A = arith.constant 0 : i32
    %dma_start3A_89 = arith.constant 0 : i32
    %dma_start3A_90 = tpu.memref_slice %arg2[%dma_start3A, %dma_start3A_89] : memref<20480x128xf32, #tpu.memory_space<hbm>> -> memref<20480x128xf32, #tpu.memory_space<hbm>>
    tpu.enqueue_indirect_dma source(%dma_start3A_90 : memref<20480x128xf32, #tpu.memory_space<hbm>>) target(%arg15 : memref<80x128xf32, #tpu.memory_space<vmem>>) offsets(%arg11 : memref<80xi32, #tpu.memory_space<vmem>>) semaphore(%arg20 : memref<!tpu.dma_semaphore, #tpu.memory_space<semaphore_mem>>)
    %rem3A_91 = arith.constant 1 : i32
    %rem3A_92 = arith.constant 20 : i32
    %rem3A_93 = arith.remsi %rem3A_91, %rem3A_92 : i32
    %mul3A_94 = arith.constant 80 : i32
    %mul3A_95 = arith.muli %rem3A_93, %mul3A_94 : i32
    %add3A_96 = arith.constant 0 : i32
    %add3A_97 = arith.addi %mul3A_95, %add3A_96 : i32
    %get3A_98 = arith.index_cast %add3A_97 : i32 to index
    %get3A_99 = tpu.vector_load %arg9[%get3A_98] {strides = array<i32>} : memref<1600xi32, #tpu.memory_space<vmem>>, vector<16xi32>,
    %add3A_100 = arith.constant 0 : i32
    %add3A_101 = arith.addi %mul3A_95, %add3A_100 : i32
    %get3A_102 = arith.index_cast %add3A_101 : i32 to index
    %get3A_103 = tpu.vector_load %arg10[%get3A_102] {strides = array<i32>} : memref<1600xi32, #tpu.memory_space<vmem>>, vector<16xi32>,
    %add3A_104 = vector.broadcast %mul3A_2 : i32 to vector<16xi32>
    %add3A_105 = arith.addi %get3A_99, %add3A_104 : vector<16xi32>
    %swap3A_106 = arith.constant 0 : index
    %swap3A_107 = tpu.vector_load %arg12[%swap3A_106] {strides = array<i32>} : memref<80xi32, #tpu.memory_space<vmem>>, vector<16xi32>,
    tpu.vector_store %arg12[%swap3A_106], %add3A_105 {strides = array<i32>} : memref<80xi32, #tpu.memory_space<vmem>>, vector<16xi32>,
    %swap3A_108 = arith.constant 0 : index
    %swap3A_109 = tpu.vector_load %arg14[%swap3A_108] {strides = array<i32>} : memref<80xi32, #tpu.memory_space<vmem>>, vector<16xi32>,
    tpu.vector_store %arg14[%swap3A_108], %get3A_103 {strides = array<i32>} : memref<80xi32, #tpu.memory_space<vmem>>, vector<16xi32>,
    %gather3A_110 = tpu.vector_load_idx %arg17[%get3A_103] : memref<10240xf32, #tpu.memory_space<vmem>>[vector<16xi32>], vector<16xf32>,
    tpu.vector_store_idx %arg18[%get3A_99], %gather3A_110 {add = true} : memref<10240xf32, #tpu.memory_space<vmem>>[vector<16xi32>], vector<16xf32>,
    %add3A_111 = arith.constant 16 : i32
    %add3A_112 = arith.addi %mul3A_95, %add3A_111 : i32
    %get3A_113 = arith.index_cast %add3A_112 : i32 to index
    %get3A_114 = tpu.vector_load %arg9[%get3A_113] {strides = array<i32>} : memref<1600xi32, #tpu.memory_space<vmem>>, vector<16xi32>,
    %add3A_115 = arith.constant 16 : i32
    %add3A_116 = arith.addi %mul3A_95, %add3A_115 : i32
    %get3A_117 = arith.index_cast %add3A_116 : i32 to index
    %get3A_118 = tpu.vector_load %arg10[%get3A_117] {strides = array<i32>} : memref<1600xi32, #tpu.memory_space<vmem>>, vector<16xi32>,
    %add3A_119 = vector.broadcast %mul3A_2 : i32 to vector<16xi32>
    %add3A_120 = arith.addi %get3A_114, %add3A_119 : vector<16xi32>
    %swap3A_121 = arith.constant 16 : index
    %swap3A_122 = tpu.vector_load %arg12[%swap3A_121] {strides = array<i32>} : memref<80xi32, #tpu.memory_space<vmem>>, vector<16xi32>,
    tpu.vector_store %arg12[%swap3A_121], %add3A_120 {strides = array<i32>} : memref<80xi32, #tpu.memory_space<vmem>>, vector<16xi32>,
    %swap3A_123 = arith.constant 16 : index
    %swap3A_124 = tpu.vector_load %arg14[%swap3A_123] {strides = array<i32>} : memref<80xi32, #tpu.memory_space<vmem>>, vector<16xi32>,
    tpu.vector_store %arg14[%swap3A_123], %get3A_118 {strides = array<i32>} : memref<80xi32, #tpu.memory_space<vmem>>, vector<16xi32>,
    %gather3A_125 = tpu.vector_load_idx %arg17[%get3A_118] : memref<10240xf32, #tpu.memory_space<vmem>>[vector<16xi32>], vector<16xf32>,
    tpu.vector_store_idx %arg18[%get3A_114], %gather3A_125 {add = true} : memref<10240xf32, #tpu.memory_space<vmem>>[vector<16xi32>], vector<16xf32>,
    %add3A_126 = arith.constant 32 : i32
    %add3A_127 = arith.addi %mul3A_95, %add3A_126 : i32
    %get3A_128 = arith.index_cast %add3A_127 : i32 to index
    %get3A_129 = tpu.vector_load %arg9[%get3A_128] {strides = array<i32>} : memref<1600xi32, #tpu.memory_space<vmem>>, vector<16xi32>,
    %add3A_130 = arith.constant 32 : i32
    %add3A_131 = arith.addi %mul3A_95, %add3A_130 : i32
    %get3A_132 = arith.index_cast %add3A_131 : i32 to index
    %get3A_133 = tpu.vector_load %arg10[%get3A_132] {strides = array<i32>} : memref<1600xi32, #tpu.memory_space<vmem>>, vector<16xi32>,
    %add3A_134 = vector.broadcast %mul3A_2 : i32 to vector<16xi32>
    %add3A_135 = arith.addi %get3A_129, %add3A_134 : vector<16xi32>
    %swap3A_136 = arith.constant 32 : index
    %swap3A_137 = tpu.vector_load %arg12[%swap3A_136] {strides = array<i32>} : memref<80xi32, #tpu.memory_space<vmem>>, vector<16xi32>,
    tpu.vector_store %arg12[%swap3A_136], %add3A_135 {strides = array<i32>} : memref<80xi32, #tpu.memory_space<vmem>>, vector<16xi32>,
    %swap3A_138 = arith.constant 32 : index
    %swap3A_139 = tpu.vector_load %arg14[%swap3A_138] {strides = array<i32>} : memref<80xi32, #tpu.memory_space<vmem>>, vector<16xi32>,
    tpu.vector_store %arg14[%swap3A_138], %get3A_133 {strides = array<i32>} : memref<80xi32, #tpu.memory_space<vmem>>, vector<16xi32>,
    %gather3A_140 = tpu.vector_load_idx %arg17[%get3A_133] : memref<10240xf32, #tpu.memory_space<vmem>>[vector<16xi32>], vector<16xf32>,
    tpu.vector_store_idx %arg18[%get3A_129], %gather3A_140 {add = true} : memref<10240xf32, #tpu.memory_space<vmem>>[vector<16xi32>], vector<16xf32>,
    %add3A_141 = arith.constant 48 : i32
    %add3A_142 = arith.addi %mul3A_95, %add3A_141 : i32
    %get3A_143 = arith.index_cast %add3A_142 : i32 to index
    %get3A_144 = tpu.vector_load %arg9[%get3A_143] {strides = array<i32>} : memref<1600xi32, #tpu.memory_space<vmem>>, vector<16xi32>,
    %add3A_145 = arith.constant 48 : i32
    %add3A_146 = arith.addi %mul3A_95, %add3A_145 : i32
    %get3A_147 = arith.index_cast %add3A_146 : i32 to index
    %get3A_148 = tpu.vector_load %arg10[%get3A_147] {strides = array<i32>} : memref<1600xi32, #tpu.memory_space<vmem>>, vector<16xi32>,
    %add3A_149 = vector.broadcast %mul3A_2 : i32 to vector<16xi32>
    %add3A_150 = arith.addi %get3A_144, %add3A_149 : vector<16xi32>
    %swap3A_151 = arith.constant 48 : index
    %swap3A_152 = tpu.vector_load %arg12[%swap3A_151] {strides = array<i32>} : memref<80xi32, #tpu.memory_space<vmem>>, vector<16xi32>,
    tpu.vector_store %arg12[%swap3A_151], %add3A_150 {strides = array<i32>} : memref<80xi32, #tpu.memory_space<vmem>>, vector<16xi32>,
    %swap3A_153 = arith.constant 48 : index
    %swap3A_154 = tpu.vector_load %arg14[%swap3A_153] {strides = array<i32>} : memref<80xi32, #tpu.memory_space<vmem>>, vector<16xi32>,
    tpu.vector_store %arg14[%swap3A_153], %get3A_148 {strides = array<i32>} : memref<80xi32, #tpu.memory_space<vmem>>, vector<16xi32>,
    %gather3A_155 = tpu.vector_load_idx %arg17[%get3A_148] : memref<10240xf32, #tpu.memory_space<vmem>>[vector<16xi32>], vector<16xf32>,
    tpu.vector_store_idx %arg18[%get3A_144], %gather3A_155 {add = true} : memref<10240xf32, #tpu.memory_space<vmem>>[vector<16xi32>], vector<16xf32>,
    %add3A_156 = arith.constant 64 : i32
    %add3A_157 = arith.addi %mul3A_95, %add3A_156 : i32
    %get3A_158 = arith.index_cast %add3A_157 : i32 to index
    %get3A_159 = tpu.vector_load %arg9[%get3A_158] {strides = array<i32>} : memref<1600xi32, #tpu.memory_space<vmem>>, vector<16xi32>,
    %add3A_160 = arith.constant 64 : i32
    %add3A_161 = arith.addi %mul3A_95, %add3A_160 : i32
    %get3A_162 = arith.index_cast %add3A_161 : i32 to index
    %get3A_163 = tpu.vector_load %arg10[%get3A_162] {strides = array<i32>} : memref<1600xi32, #tpu.memory_space<vmem>>, vector<16xi32>,
    %add3A_164 = vector.broadcast %mul3A_2 : i32 to vector<16xi32>
    %add3A_165 = arith.addi %get3A_159, %add3A_164 : vector<16xi32>
    %swap3A_166 = arith.constant 64 : index
    %swap3A_167 = tpu.vector_load %arg12[%swap3A_166] {strides = array<i32>} : memref<80xi32, #tpu.memory_space<vmem>>, vector<16xi32>,
    tpu.vector_store %arg12[%swap3A_166], %add3A_165 {strides = array<i32>} : memref<80xi32, #tpu.memory_space<vmem>>, vector<16xi32>,
    %swap3A_168 = arith.constant 64 : index
    %swap3A_169 = tpu.vector_load %arg14[%swap3A_168] {strides = array<i32>} : memref<80xi32, #tpu.memory_space<vmem>>, vector<16xi32>,
    tpu.vector_store %arg14[%swap3A_168], %get3A_163 {strides = array<i32>} : memref<80xi32, #tpu.memory_space<vmem>>, vector<16xi32>,
    %gather3A_170 = tpu.vector_load_idx %arg17[%get3A_163] : memref<10240xf32, #tpu.memory_space<vmem>>[vector<16xi32>], vector<16xf32>,
    tpu.vector_store_idx %arg18[%get3A_159], %gather3A_170 {add = true} : memref<10240xf32, #tpu.memory_space<vmem>>[vector<16xi32>], vector<16xf32>,
    %dma_start3A_171 = arith.constant 0 : i32
    %dma_start3A_172 = arith.constant 0 : i32
    %dma_start3A_173 = tpu.memref_slice %arg2[%dma_start3A_171, %dma_start3A_172] : memref<20480x128xf32, #tpu.memory_space<hbm>> -> memref<20480x128xf32, #tpu.memory_space<hbm>>
    tpu.enqueue_indirect_dma source(%dma_start3A_173 : memref<20480x128xf32, #tpu.memory_space<hbm>>) target(%arg16 : memref<80x128xf32, #tpu.memory_space<vmem>>) offsets(%arg12 : memref<80xi32, #tpu.memory_space<vmem>>) semaphore(%arg21 : memref<!tpu.dma_semaphore, #tpu.memory_space<semaphore_mem>>)
    %dma_wait3A = arith.constant 0 : i32
    %dma_wait3A_174 = arith.constant 0 : i32
    %dma_wait3A_175 = tpu.memref_slice %arg2[%dma_wait3A, %dma_wait3A_174] : memref<20480x128xf32, #tpu.memory_space<hbm>> -> memref<20480x128xf32, #tpu.memory_space<hbm>>
    tpu.wait_indirect_dma semaphore(%arg20 : memref<!tpu.dma_semaphore, #tpu.memory_space<semaphore_mem>>) src(%dma_wait3A_175 : memref<20480x128xf32, #tpu.memory_space<hbm>>) dst(%arg15 : memref<80x128xf32, #tpu.memory_space<vmem>>)
    %dma_start3A_176 = arith.constant 0 : i32
    %dma_start3A_177 = arith.constant 0 : i32
    %dma_start3A_178 = tpu.memref_slice %arg19[%dma_start3A_176, %dma_start3A_177] : memref<10240x128xf32, #tpu.memory_space<vmem_shared>> -> memref<10240x128xf32, #tpu.memory_space<vmem_shared>>
    tpu.enqueue_indirect_dma source(%arg15 : memref<80x128xf32, #tpu.memory_space<vmem>>) target(%dma_start3A_178 : memref<10240x128xf32, #tpu.memory_space<vmem_shared>>) offsets(%arg13 : memref<80xi32, #tpu.memory_space<vmem>>) semaphore(%arg22 : memref<!tpu.dma_semaphore, #tpu.memory_space<semaphore_mem>>) {add = true}
    %dma_wait3A_179 = arith.constant 0 : i32
    %dma_wait3A_180 = arith.constant 0 : i32
    %dma_wait3A_181 = tpu.memref_slice %arg19[%dma_wait3A_179, %dma_wait3A_180] : memref<10240x128xf32, #tpu.memory_space<vmem_shared>> -> memref<10240x128xf32, #tpu.memory_space<vmem_shared>>
    tpu.wait_indirect_dma semaphore(%arg22 : memref<!tpu.dma_semaphore, #tpu.memory_space<semaphore_mem>>) src(%arg15 : memref<80x128xf32, #tpu.memory_space<vmem>>) dst(%dma_wait3A_181 : memref<10240x128xf32, #tpu.memory_space<vmem_shared>>)
    %rem3A_182 = arith.constant 2 : i32
    %rem3A_183 = arith.constant 20 : i32
    %rem3A_184 = arith.remsi %rem3A_182, %rem3A_183 : i32
    %mul3A_185 = arith.constant 80 : i32
    %mul3A_186 = arith.muli %rem3A_184, %mul3A_185 : i32
    %add3A_187 = arith.constant 0 : i32
    %add3A_188 = arith.addi %mul3A_186, %add3A_187 : i32
    %get3A_189 = arith.index_cast %add3A_188 : i32 to index
    %get3A_190 = tpu.vector_load %arg9[%get3A_189] {strides = array<i32>} : memref<1600xi32, #tpu.memory_space<vmem>>, vector<16xi32>,
    %add3A_191 = arith.constant 0 : i32
    %add3A_192 = arith.addi %mul3A_186, %add3A_191 : i32
    %get3A_193 = arith.index_cast %add3A_192 : i32 to index
    %get3A_194 = tpu.vector_load %arg10[%get3A_193] {strides = array<i32>} : memref<1600xi32, #tpu.memory_space<vmem>>, vector<16xi32>,
    %add3A_195 = vector.broadcast %mul3A_2 : i32 to vector<16xi32>
    %add3A_196 = arith.addi %get3A_190, %add3A_195 : vector<16xi32>
    %swap3A_197 = arith.constant 0 : index
    %swap3A_198 = tpu.vector_load %arg11[%swap3A_197] {strides = array<i32>} : memref<80xi32, #tpu.memory_space<vmem>>, vector<16xi32>,
    tpu.vector_store %arg11[%swap3A_197], %add3A_196 {strides = array<i32>} : memref<80xi32, #tpu.memory_space<vmem>>, vector<16xi32>,
    %swap3A_199 = arith.constant 0 : index
    %swap3A_200 = tpu.vector_load %arg13[%swap3A_199] {strides = array<i32>} : memref<80xi32, #tpu.memory_space<vmem>>, vector<16xi32>,
    tpu.vector_store %arg13[%swap3A_199], %get3A_194 {strides = array<i32>} : memref<80xi32, #tpu.memory_space<vmem>>, vector<16xi32>,
    %gather3A_201 = tpu.vector_load_idx %arg17[%get3A_194] : memref<10240xf32, #tpu.memory_space<vmem>>[vector<16xi32>], vector<16xf32>,
    tpu.vector_store_idx %arg18[%get3A_190], %gather3A_201 {add = true} : memref<10240xf32, #tpu.memory_space<vmem>>[vector<16xi32>], vector<16xf32>,
    %add3A_202 = arith.constant 16 : i32
    %add3A_203 = arith.addi %mul3A_186, %add3A_202 : i32
    %get3A_204 = arith.index_cast %add3A_203 : i32 to index
    %get3A_205 = tpu.vector_load %arg9[%get3A_204] {strides = array<i32>} : memref<1600xi32, #tpu.memory_space<vmem>>, vector<16xi32>,
    %add3A_206 = arith.constant 16 : i32
    %add3A_207 = arith.addi %mul3A_186, %add3A_206 : i32
    %get3A_208 = arith.index_cast %add3A_207 : i32 to index
    %get3A_209 = tpu.vector_load %arg10[%get3A_208] {strides = array<i32>} : memref<1600xi32, #tpu.memory_space<vmem>>, vector<16xi32>,
    %add3A_210 = vector.broadcast %mul3A_2 : i32 to vector<16xi32>
    %add3A_211 = arith.addi %get3A_205, %add3A_210 : vector<16xi32>
    %swap3A_212 = arith.constant 16 : index
    %swap3A_213 = tpu.vector_load %arg11[%swap3A_212] {strides = array<i32>} : memref<80xi32, #tpu.memory_space<vmem>>, vector<16xi32>,
    tpu.vector_store %arg11[%swap3A_212], %add3A_211 {strides = array<i32>} : memref<80xi32, #tpu.memory_space<vmem>>, vector<16xi32>,
    %swap3A_214 = arith.constant 16 : index
    %swap3A_215 = tpu.vector_load %arg13[%swap3A_214] {strides = array<i32>} : memref<80xi32, #tpu.memory_space<vmem>>, vector<16xi32>,
    tpu.vector_store %arg13[%swap3A_214], %get3A_209 {strides = array<i32>} : memref<80xi32, #tpu.memory_space<vmem>>, vector<16xi32>,
    %gather3A_216 = tpu.vector_load_idx %arg17[%get3A_209] : memref<10240xf32, #tpu.memory_space<vmem>>[vector<16xi32>], vector<16xf32>,
    tpu.vector_store_idx %arg18[%get3A_205], %gather3A_216 {add = true} : memref<10240xf32, #tpu.memory_space<vmem>>[vector<16xi32>], vector<16xf32>,
    %add3A_217 = arith.constant 32 : i32
    %add3A_218 = arith.addi %mul3A_186, %add3A_217 : i32
    %get3A_219 = arith.index_cast %add3A_218 : i32 to index
    %get3A_220 = tpu.vector_load %arg9[%get3A_219] {strides = array<i32>} : memref<1600xi32, #tpu.memory_space<vmem>>, vector<16xi32>,
    %add3A_221 = arith.constant 32 : i32
    %add3A_222 = arith.addi %mul3A_186, %add3A_221 : i32
    %get3A_223 = arith.index_cast %add3A_222 : i32 to index
    %get3A_224 = tpu.vector_load %arg10[%get3A_223] {strides = array<i32>} : memref<1600xi32, #tpu.memory_space<vmem>>, vector<16xi32>,
    %add3A_225 = vector.broadcast %mul3A_2 : i32 to vector<16xi32>
    %add3A_226 = arith.addi %get3A_220, %add3A_225 : vector<16xi32>
    %swap3A_227 = arith.constant 32 : index
    %swap3A_228 = tpu.vector_load %arg11[%swap3A_227] {strides = array<i32>} : memref<80xi32, #tpu.memory_space<vmem>>, vector<16xi32>,
    tpu.vector_store %arg11[%swap3A_227], %add3A_226 {strides = array<i32>} : memref<80xi32, #tpu.memory_space<vmem>>, vector<16xi32>,
    %swap3A_229 = arith.constant 32 : index
    %swap3A_230 = tpu.vector_load %arg13[%swap3A_229] {strides = array<i32>} : memref<80xi32, #tpu.memory_space<vmem>>, vector<16xi32>,
    tpu.vector_store %arg13[%swap3A_229], %get3A_224 {strides = array<i32>} : memref<80xi32, #tpu.memory_space<vmem>>, vector<16xi32>,
    %gather3A_231 = tpu.vector_load_idx %arg17[%get3A_224] : memref<10240xf32, #tpu.memory_space<vmem>>[vector<16xi32>], vector<16xf32>,
    tpu.vector_store_idx %arg18[%get3A_220], %gather3A_231 {add = true} : memref<10240xf32, #tpu.memory_space<vmem>>[vector<16xi32>], vector<16xf32>,
    %add3A_232 = arith.constant 48 : i32
    %add3A_233 = arith.addi %mul3A_186, %add3A_232 : i32
    %get3A_234 = arith.index_cast %add3A_233 : i32 to index
    %get3A_235 = tpu.vector_load %arg9[%get3A_234] {strides = array<i32>} : memref<1600xi32, #tpu.memory_space<vmem>>, vector<16xi32>,
    %add3A_236 = arith.constant 48 : i32
    %add3A_237 = arith.addi %mul3A_186, %add3A_236 : i32
    %get3A_238 = arith.index_cast %add3A_237 : i32 to index
    %get3A_239 = tpu.vector_load %arg10[%get3A_238] {strides = array<i32>} : memref<1600xi32, #tpu.memory_space<vmem>>, vector<16xi32>,
    %add3A_240 = vector.broadcast %mul3A_2 : i32 to vector<16xi32>
    %add3A_241 = arith.addi %get3A_235, %add3A_240 : vector<16xi32>
    %swap3A_242 = arith.constant 48 : index
    %swap3A_243 = tpu.vector_load %arg11[%swap3A_242] {strides = array<i32>} : memref<80xi32, #tpu.memory_space<vmem>>, vector<16xi32>,
    tpu.vector_store %arg11[%swap3A_242], %add3A_241 {strides = array<i32>} : memref<80xi32, #tpu.memory_space<vmem>>, vector<16xi32>,
    %swap3A_244 = arith.constant 48 : index
    %swap3A_245 = tpu.vector_load %arg13[%swap3A_244] {strides = array<i32>} : memref<80xi32, #tpu.memory_space<vmem>>, vector<16xi32>,
    tpu.vector_store %arg13[%swap3A_244], %get3A_239 {strides = array<i32>} : memref<80xi32, #tpu.memory_space<vmem>>, vector<16xi32>,
    %gather3A_246 = tpu.vector_load_idx %arg17[%get3A_239] : memref<10240xf32, #tpu.memory_space<vmem>>[vector<16xi32>], vector<16xf32>,
    tpu.vector_store_idx %arg18[%get3A_235], %gather3A_246 {add = true} : memref<10240xf32, #tpu.memory_space<vmem>>[vector<16xi32>], vector<16xf32>,
    %add3A_247 = arith.constant 64 : i32
    %add3A_248 = arith.addi %mul3A_186, %add3A_247 : i32
    %get3A_249 = arith.index_cast %add3A_248 : i32 to index
    %get3A_250 = tpu.vector_load %arg9[%get3A_249] {strides = array<i32>} : memref<1600xi32, #tpu.memory_space<vmem>>, vector<16xi32>,
    %add3A_251 = arith.constant 64 : i32
    %add3A_252 = arith.addi %mul3A_186, %add3A_251 : i32
    %get3A_253 = arith.index_cast %add3A_252 : i32 to index
    %get3A_254 = tpu.vector_load %arg10[%get3A_253] {strides = array<i32>} : memref<1600xi32, #tpu.memory_space<vmem>>, vector<16xi32>,
    %add3A_255 = vector.broadcast %mul3A_2 : i32 to vector<16xi32>
    %add3A_256 = arith.addi %get3A_250, %add3A_255 : vector<16xi32>
    %swap3A_257 = arith.constant 64 : index
    %swap3A_258 = tpu.vector_load %arg11[%swap3A_257] {strides = array<i32>} : memref<80xi32, #tpu.memory_space<vmem>>, vector<16xi32>,
    tpu.vector_store %arg11[%swap3A_257], %add3A_256 {strides = array<i32>} : memref<80xi32, #tpu.memory_space<vmem>>, vector<16xi32>,
    %swap3A_259 = arith.constant 64 : index
    %swap3A_260 = tpu.vector_load %arg13[%swap3A_259] {strides = array<i32>} : memref<80xi32, #tpu.memory_space<vmem>>, vector<16xi32>,
    tpu.vector_store %arg13[%swap3A_259], %get3A_254 {strides = array<i32>} : memref<80xi32, #tpu.memory_space<vmem>>, vector<16xi32>,
    %gather3A_261 = tpu.vector_load_idx %arg17[%get3A_254] : memref<10240xf32, #tpu.memory_space<vmem>>[vector<16xi32>], vector<16xf32>,
    tpu.vector_store_idx %arg18[%get3A_250], %gather3A_261 {add = true} : memref<10240xf32, #tpu.memory_space<vmem>>[vector<16xi32>], vector<16xf32>,
    %dma_start3A_262 = arith.constant 0 : i32
    %dma_start3A_263 = arith.constant 0 : i32
    %dma_start3A_264 = tpu.memref_slice %arg2[%dma_start3A_262, %dma_start3A_263] : memref<20480x128xf32, #tpu.memory_space<hbm>> -> memref<20480x128xf32, #tpu.memory_space<hbm>>
    tpu.enqueue_indirect_dma source(%dma_start3A_264 : memref<20480x128xf32, #tpu.memory_space<hbm>>) target(%arg15 : memref<80x128xf32, #tpu.memory_space<vmem>>) offsets(%arg11 : memref<80xi32, #tpu.memory_space<vmem>>) semaphore(%arg20 : memref<!tpu.dma_semaphore, #tpu.memory_space<semaphore_mem>>)
    %dma_wait3A_265 = arith.constant 0 : i32
    %dma_wait3A_266 = arith.constant 0 : i32
    %dma_wait3A_267 = tpu.memref_slice %arg2[%dma_wait3A_265, %dma_wait3A_266] : memref<20480x128xf32, #tpu.memory_space<hbm>> -> memref<20480x128xf32, #tpu.memory_space<hbm>>
    tpu.wait_indirect_dma semaphore(%arg21 : memref<!tpu.dma_semaphore, #tpu.memory_space<semaphore_mem>>) src(%dma_wait3A_267 : memref<20480x128xf32, #tpu.memory_space<hbm>>) dst(%arg16 : memref<80x128xf32, #tpu.memory_space<vmem>>)
    %dma_start3A_268 = arith.constant 0 : i32
    %dma_start3A_269 = arith.constant 0 : i32
    %dma_start3A_270 = tpu.memref_slice %arg19[%dma_start3A_268, %dma_start3A_269] : memref<10240x128xf32, #tpu.memory_space<vmem_shared>> -> memref<10240x128xf32, #tpu.memory_space<vmem_shared>>
    tpu.enqueue_indirect_dma source(%arg16 : memref<80x128xf32, #tpu.memory_space<vmem>>) target(%dma_start3A_270 : memref<10240x128xf32, #tpu.memory_space<vmem_shared>>) offsets(%arg14 : memref<80xi32, #tpu.memory_space<vmem>>) semaphore(%arg23 : memref<!tpu.dma_semaphore, #tpu.memory_space<semaphore_mem>>) {add = true}
    %scan3A_271 = arith.constant 0 : i32
    %scan3A_272 = arith.constant 1 : i32
    %scan3A_273 = arith.constant 61 : i32
    %scan3A_274 = arith.addi %scan3A_272, %scan3A_273 : i32
    %scan3A_275 = arith.constant 1 : i32
    scf.for %scan3A_288 = %scan3A_272 to %scan3A_274 step %scan3A_275  : i32 {
      %mul3A_289 = arith.constant 2 : i32
      %mul3A_290 = arith.muli %mul3A_289, %scan3A_288 : i32
      %dma_wait3A_291 = arith.constant 0 : i32
      %dma_wait3A_292 = arith.constant 0 : i32
      %dma_wait3A_293 = tpu.memref_slice %arg19[%dma_wait3A_291, %dma_wait3A_292] : memref<10240x128xf32, #tpu.memory_space<vmem_shared>> -> memref<10240x128xf32, #tpu.memory_space<vmem_shared>>
      tpu.wait_indirect_dma semaphore(%arg23 : memref<!tpu.dma_semaphore, #tpu.memory_space<semaphore_mem>>) src(%arg16 : memref<80x128xf32, #tpu.memory_space<vmem>>) dst(%dma_wait3A_293 : memref<10240x128xf32, #tpu.memory_space<vmem_shared>>)
      %add3A_294 = arith.constant 1 : i32
      %add3A_295 = arith.addi %mul3A_290, %add3A_294 : i32
      %rem3A_296 = arith.constant 20 : i32
      %rem3A_297 = arith.remsi %add3A_295, %rem3A_296 : i32
      %mul3A_298 = arith.constant 80 : i32
      %mul3A_299 = arith.muli %rem3A_297, %mul3A_298 : i32
      %add3A_300 = arith.constant 0 : i32
      %add3A_301 = arith.addi %mul3A_299, %add3A_300 : i32
      %get3A_302 = arith.index_cast %add3A_301 : i32 to index
      %get3A_303 = tpu.vector_load %arg9[%get3A_302] {strides = array<i32>} : memref<1600xi32, #tpu.memory_space<vmem>>, vector<16xi32>,
      %add3A_304 = arith.constant 0 : i32
      %add3A_305 = arith.addi %mul3A_299, %add3A_304 : i32
      %get3A_306 = arith.index_cast %add3A_305 : i32 to index
      %get3A_307 = tpu.vector_load %arg10[%get3A_306] {strides = array<i32>} : memref<1600xi32, #tpu.memory_space<vmem>>, vector<16xi32>,
      %add3A_308 = vector.broadcast %mul3A_2 : i32 to vector<16xi32>
      %add3A_309 = arith.addi %get3A_303, %add3A_308 : vector<16xi32>
      %swap3A_310 = arith.constant 0 : index
      %swap3A_311 = tpu.vector_load %arg12[%swap3A_310] {strides = array<i32>} : memref<80xi32, #tpu.memory_space<vmem>>, vector<16xi32>,
      tpu.vector_store %arg12[%swap3A_310], %add3A_309 {strides = array<i32>} : memref<80xi32, #tpu.memory_space<vmem>>, vector<16xi32>,
      %swap3A_312 = arith.constant 0 : index
      %swap3A_313 = tpu.vector_load %arg14[%swap3A_312] {strides = array<i32>} : memref<80xi32, #tpu.memory_space<vmem>>, vector<16xi32>,
      tpu.vector_store %arg14[%swap3A_312], %get3A_307 {strides = array<i32>} : memref<80xi32, #tpu.memory_space<vmem>>, vector<16xi32>,
      %gather3A_314 = tpu.vector_load_idx %arg17[%get3A_307] : memref<10240xf32, #tpu.memory_space<vmem>>[vector<16xi32>], vector<16xf32>,
      tpu.vector_store_idx %arg18[%get3A_303], %gather3A_314 {add = true} : memref<10240xf32, #tpu.memory_space<vmem>>[vector<16xi32>], vector<16xf32>,
      %add3A_315 = arith.constant 16 : i32
      %add3A_316 = arith.addi %mul3A_299, %add3A_315 : i32
      %get3A_317 = arith.index_cast %add3A_316 : i32 to index
      %get3A_318 = tpu.vector_load %arg9[%get3A_317] {strides = array<i32>} : memref<1600xi32, #tpu.memory_space<vmem>>, vector<16xi32>,
      %add3A_319 = arith.constant 16 : i32
      %add3A_320 = arith.addi %mul3A_299, %add3A_319 : i32
      %get3A_321 = arith.index_cast %add3A_320 : i32 to index
      %get3A_322 = tpu.vector_load %arg10[%get3A_321] {strides = array<i32>} : memref<1600xi32, #tpu.memory_space<vmem>>, vector<16xi32>,
      %add3A_323 = vector.broadcast %mul3A_2 : i32 to vector<16xi32>
      %add3A_324 = arith.addi %get3A_318, %add3A_323 : vector<16xi32>
      %swap3A_325 = arith.constant 16 : index
      %swap3A_326 = tpu.vector_load %arg12[%swap3A_325] {strides = array<i32>} : memref<80xi32, #tpu.memory_space<vmem>>, vector<16xi32>,
      tpu.vector_store %arg12[%swap3A_325], %add3A_324 {strides = array<i32>} : memref<80xi32, #tpu.memory_space<vmem>>, vector<16xi32>,
      %swap3A_327 = arith.constant 16 : index
      %swap3A_328 = tpu.vector_load %arg14[%swap3A_327] {strides = array<i32>} : memref<80xi32, #tpu.memory_space<vmem>>, vector<16xi32>,
      tpu.vector_store %arg14[%swap3A_327], %get3A_322 {strides = array<i32>} : memref<80xi32, #tpu.memory_space<vmem>>, vector<16xi32>,
      %gather3A_329 = tpu.vector_load_idx %arg17[%get3A_322] : memref<10240xf32, #tpu.memory_space<vmem>>[vector<16xi32>], vector<16xf32>,
      tpu.vector_store_idx %arg18[%get3A_318], %gather3A_329 {add = true} : memref<10240xf32, #tpu.memory_space<vmem>>[vector<16xi32>], vector<16xf32>,
      %add3A_330 = arith.constant 32 : i32
      %add3A_331 = arith.addi %mul3A_299, %add3A_330 : i32
      %get3A_332 = arith.index_cast %add3A_331 : i32 to index
      %get3A_333 = tpu.vector_load %arg9[%get3A_332] {strides = array<i32>} : memref<1600xi32, #tpu.memory_space<vmem>>, vector<16xi32>,
      %add3A_334 = arith.constant 32 : i32
      %add3A_335 = arith.addi %mul3A_299, %add3A_334 : i32
      %get3A_336 = arith.index_cast %add3A_335 : i32 to index
      %get3A_337 = tpu.vector_load %arg10[%get3A_336] {strides = array<i32>} : memref<1600xi32, #tpu.memory_space<vmem>>, vector<16xi32>,
      %add3A_338 = vector.broadcast %mul3A_2 : i32 to vector<16xi32>
      %add3A_339 = arith.addi %get3A_333, %add3A_338 : vector<16xi32>
      %swap3A_340 = arith.constant 32 : index
      %swap3A_341 = tpu.vector_load %arg12[%swap3A_340] {strides = array<i32>} : memref<80xi32, #tpu.memory_space<vmem>>, vector<16xi32>,
      tpu.vector_store %arg12[%swap3A_340], %add3A_339 {strides = array<i32>} : memref<80xi32, #tpu.memory_space<vmem>>, vector<16xi32>,
      %swap3A_342 = arith.constant 32 : index
      %swap3A_343 = tpu.vector_load %arg14[%swap3A_342] {strides = array<i32>} : memref<80xi32, #tpu.memory_space<vmem>>, vector<16xi32>,
      tpu.vector_store %arg14[%swap3A_342], %get3A_337 {strides = array<i32>} : memref<80xi32, #tpu.memory_space<vmem>>, vector<16xi32>,
      %gather3A_344 = tpu.vector_load_idx %arg17[%get3A_337] : memref<10240xf32, #tpu.memory_space<vmem>>[vector<16xi32>], vector<16xf32>,
      tpu.vector_store_idx %arg18[%get3A_333], %gather3A_344 {add = true} : memref<10240xf32, #tpu.memory_space<vmem>>[vector<16xi32>], vector<16xf32>,
      %add3A_345 = arith.constant 48 : i32
      %add3A_346 = arith.addi %mul3A_299, %add3A_345 : i32
      %get3A_347 = arith.index_cast %add3A_346 : i32 to index
      %get3A_348 = tpu.vector_load %arg9[%get3A_347] {strides = array<i32>} : memref<1600xi32, #tpu.memory_space<vmem>>, vector<16xi32>,
      %add3A_349 = arith.constant 48 : i32
      %add3A_350 = arith.addi %mul3A_299, %add3A_349 : i32
      %get3A_351 = arith.index_cast %add3A_350 : i32 to index
      %get3A_352 = tpu.vector_load %arg10[%get3A_351] {strides = array<i32>} : memref<1600xi32, #tpu.memory_space<vmem>>, vector<16xi32>,
      %add3A_353 = vector.broadcast %mul3A_2 : i32 to vector<16xi32>
      %add3A_354 = arith.addi %get3A_348, %add3A_353 : vector<16xi32>
      %swap3A_355 = arith.constant 48 : index
      %swap3A_356 = tpu.vector_load %arg12[%swap3A_355] {strides = array<i32>} : memref<80xi32, #tpu.memory_space<vmem>>, vector<16xi32>,
      tpu.vector_store %arg12[%swap3A_355], %add3A_354 {strides = array<i32>} : memref<80xi32, #tpu.memory_space<vmem>>, vector<16xi32>,
      %swap3A_357 = arith.constant 48 : index
      %swap3A_358 = tpu.vector_load %arg14[%swap3A_357] {strides = array<i32>} : memref<80xi32, #tpu.memory_space<vmem>>, vector<16xi32>,
      tpu.vector_store %arg14[%swap3A_357], %get3A_352 {strides = array<i32>} : memref<80xi32, #tpu.memory_space<vmem>>, vector<16xi32>,
      %gather3A_359 = tpu.vector_load_idx %arg17[%get3A_352] : memref<10240xf32, #tpu.memory_space<vmem>>[vector<16xi32>], vector<16xf32>,
      tpu.vector_store_idx %arg18[%get3A_348], %gather3A_359 {add = true} : memref<10240xf32, #tpu.memory_space<vmem>>[vector<16xi32>], vector<16xf32>,
      %add3A_360 = arith.constant 64 : i32
      %add3A_361 = arith.addi %mul3A_299, %add3A_360 : i32
      %get3A_362 = arith.index_cast %add3A_361 : i32 to index
      %get3A_363 = tpu.vector_load %arg9[%get3A_362] {strides = array<i32>} : memref<1600xi32, #tpu.memory_space<vmem>>, vector<16xi32>,
      %add3A_364 = arith.constant 64 : i32
      %add3A_365 = arith.addi %mul3A_299, %add3A_364 : i32
      %get3A_366 = arith.index_cast %add3A_365 : i32 to index
      %get3A_367 = tpu.vector_load %arg10[%get3A_366] {strides = array<i32>} : memref<1600xi32, #tpu.memory_space<vmem>>, vector<16xi32>,
      %add3A_368 = vector.broadcast %mul3A_2 : i32 to vector<16xi32>
      %add3A_369 = arith.addi %get3A_363, %add3A_368 : vector<16xi32>
      %swap3A_370 = arith.constant 64 : index
      %swap3A_371 = tpu.vector_load %arg12[%swap3A_370] {strides = array<i32>} : memref<80xi32, #tpu.memory_space<vmem>>, vector<16xi32>,
      tpu.vector_store %arg12[%swap3A_370], %add3A_369 {strides = array<i32>} : memref<80xi32, #tpu.memory_space<vmem>>, vector<16xi32>,
      %swap3A_372 = arith.constant 64 : index
      %swap3A_373 = tpu.vector_load %arg14[%swap3A_372] {strides = array<i32>} : memref<80xi32, #tpu.memory_space<vmem>>, vector<16xi32>,
      tpu.vector_store %arg14[%swap3A_372], %get3A_367 {strides = array<i32>} : memref<80xi32, #tpu.memory_space<vmem>>, vector<16xi32>,
      %gather3A_374 = tpu.vector_load_idx %arg17[%get3A_367] : memref<10240xf32, #tpu.memory_space<vmem>>[vector<16xi32>], vector<16xf32>,
      tpu.vector_store_idx %arg18[%get3A_363], %gather3A_374 {add = true} : memref<10240xf32, #tpu.memory_space<vmem>>[vector<16xi32>], vector<16xf32>,
      %dma_start3A_375 = arith.constant 0 : i32
      %dma_start3A_376 = arith.constant 0 : i32
      %dma_start3A_377 = tpu.memref_slice %arg2[%dma_start3A_375, %dma_start3A_376] : memref<20480x128xf32, #tpu.memory_space<hbm>> -> memref<20480x128xf32, #tpu.memory_space<hbm>>
      tpu.enqueue_indirect_dma source(%dma_start3A_377 : memref<20480x128xf32, #tpu.memory_space<hbm>>) target(%arg16 : memref<80x128xf32, #tpu.memory_space<vmem>>) offsets(%arg12 : memref<80xi32, #tpu.memory_space<vmem>>) semaphore(%arg21 : memref<!tpu.dma_semaphore, #tpu.memory_space<semaphore_mem>>)
      %dma_wait3A_378 = arith.constant 0 : i32
      %dma_wait3A_379 = arith.constant 0 : i32
      %dma_wait3A_380 = tpu.memref_slice %arg2[%dma_wait3A_378, %dma_wait3A_379] : memref<20480x128xf32, #tpu.memory_space<hbm>> -> memref<20480x128xf32, #tpu.memory_space<hbm>>
      tpu.wait_indirect_dma semaphore(%arg20 : memref<!tpu.dma_semaphore, #tpu.memory_space<semaphore_mem>>) src(%dma_wait3A_380 : memref<20480x128xf32, #tpu.memory_space<hbm>>) dst(%arg15 : memref<80x128xf32, #tpu.memory_space<vmem>>)
      %dma_start3A_381 = arith.constant 0 : i32
      %dma_start3A_382 = arith.constant 0 : i32
      %dma_start3A_383 = tpu.memref_slice %arg19[%dma_start3A_381, %dma_start3A_382] : memref<10240x128xf32, #tpu.memory_space<vmem_shared>> -> memref<10240x128xf32, #tpu.memory_space<vmem_shared>>
      tpu.enqueue_indirect_dma source(%arg15 : memref<80x128xf32, #tpu.memory_space<vmem>>) target(%dma_start3A_383 : memref<10240x128xf32, #tpu.memory_space<vmem_shared>>) offsets(%arg13 : memref<80xi32, #tpu.memory_space<vmem>>) semaphore(%arg22 : memref<!tpu.dma_semaphore, #tpu.memory_space<semaphore_mem>>) {add = true}
      %dma_wait3A_384 = arith.constant 0 : i32
      %dma_wait3A_385 = arith.constant 0 : i32
      %dma_wait3A_386 = tpu.memref_slice %arg19[%dma_wait3A_384, %dma_wait3A_385] : memref<10240x128xf32, #tpu.memory_space<vmem_shared>> -> memref<10240x128xf32, #tpu.memory_space<vmem_shared>>
      tpu.wait_indirect_dma semaphore(%arg22 : memref<!tpu.dma_semaphore, #tpu.memory_space<semaphore_mem>>) src(%arg15 : memref<80x128xf32, #tpu.memory_space<vmem>>) dst(%dma_wait3A_386 : memref<10240x128xf32, #tpu.memory_space<vmem_shared>>)
      %add3A_387 = arith.constant 2 : i32
      %add3A_388 = arith.addi %mul3A_290, %add3A_387 : i32
      %rem3A_389 = arith.constant 20 : i32
      %rem3A_390 = arith.remsi %add3A_388, %rem3A_389 : i32
      %eq3A = arith.constant 0 : i32
      %eq3A_391 = arith.cmpi eq, %rem3A_390, %eq3A : i32
      %convert_element_type3A = arith.extui %eq3A_391 : i1 to i32
      %cond3A = arith.constant 0 : i32
      %cond3A_392 = arith.cmpi ne, %convert_element_type3A, %cond3A : i32
      scf.if %cond3A_392 {
        %add3A_483 = arith.constant 2 : i32
        %add3A_484 = arith.addi %mul3A_290, %add3A_483 : i32
        %jit3A = arith.constant 20 : i32
        %div3A = arith.divsi %add3A_484, %jit3A : i32
        %sign3A = arith.constant 0 : i32
        %sign3A_485 = arith.cmpi sgt, %add3A_484, %sign3A : i32
        %sign3A_486 = arith.extui %sign3A_485 : i1 to i32
        %sign3A_487 = arith.constant 0 : i32
        %sign3A_488 = arith.cmpi slt, %add3A_484, %sign3A_487 : i32
        %sign3A_489 = arith.extui %sign3A_488 : i1 to i32
        %sign3A_490 = arith.subi %sign3A_486, %sign3A_489 : i32
        %sign3A_491 = arith.constant 0 : i32
        %sign3A_492 = arith.cmpi sgt, %jit3A, %sign3A_491 : i32
        %sign3A_493 = arith.extui %sign3A_492 : i1 to i32
        %sign3A_494 = arith.constant 0 : i32
        %sign3A_495 = arith.cmpi slt, %jit3A, %sign3A_494 : i32
        %sign3A_496 = arith.extui %sign3A_495 : i1 to i32
        %sign3A_497 = arith.subi %sign3A_493, %sign3A_496 : i32
        %ne3A = arith.cmpi ne, %sign3A_490, %sign3A_497 : i32
        %rem3A_498 = arith.remsi %add3A_484, %jit3A : i32
        %ne3A_499 = arith.constant 0 : i32
        %ne3A_500 = arith.cmpi ne, %rem3A_498, %ne3A_499 : i32
        %and3A = arith.andi %ne3A, %ne3A_500 : i1
        %sub3A = arith.constant 1 : i32
        %sub3A_501 = arith.subi %div3A, %sub3A : i32
        %select_n3A = arith.select %and3A, %sub3A_501, %div3A : i32
        %mul3A_502 = arith.constant 1600 : i32
        %mul3A_503 = arith.muli %select_n3A, %mul3A_502 : i32
        %add3A_504 = arith.addi %mul3A_0, %mul3A_503 : i32
        "tpu.region"() ({
          %run_scoped3A = tpu.sem_alloc : memref<!tpu.dma_semaphore, #tpu.memory_space<semaphore_mem>>
          %dma_start3A_508 = tpu.memref_slice %arg4[%add3A_504] : memref<160000xi32, #tpu.memory_space<hbm>> -> memref<1600xi32, #tpu.memory_space<hbm>>
          %dma_start3A_509 = tpu.memref_slice %arg4[%add3A_504] : memref<160000xi32, #tpu.memory_space<hbm>> -> memref<1600xi32, #tpu.memory_space<hbm>>
          tpu.enqueue_dma source(%dma_start3A_509 : memref<1600xi32, #tpu.memory_space<hbm>>) target(%arg9 : memref<1600xi32, #tpu.memory_space<vmem>>) target_semaphore(%run_scoped3A : memref<!tpu.dma_semaphore, #tpu.memory_space<semaphore_mem>>)
          %dma_wait3A_510 = tpu.memref_slice %arg4[%add3A_504] : memref<160000xi32, #tpu.memory_space<hbm>> -> memref<1600xi32, #tpu.memory_space<hbm>>
          %dma_wait3A_511 = tpu.memref_slice %arg4[%add3A_504] : memref<160000xi32, #tpu.memory_space<hbm>> -> memref<1600xi32, #tpu.memory_space<hbm>>
          tpu.wait_dma2 semaphore(%run_scoped3A : memref<!tpu.dma_semaphore, #tpu.memory_space<semaphore_mem>>) src(%dma_wait3A_511 : memref<1600xi32, #tpu.memory_space<hbm>>) dst(%arg9 : memref<1600xi32, #tpu.memory_space<vmem>>)
          tpu.yield
        }) : () -> ()
        %mul3A_505 = arith.constant 1600 : i32
        %mul3A_506 = arith.muli %select_n3A, %mul3A_505 : i32
        %add3A_507 = arith.addi %mul3A_0, %mul3A_506 : i32
        "tpu.region"() ({
          %run_scoped3A = tpu.sem_alloc : memref<!tpu.dma_semaphore, #tpu.memory_space<semaphore_mem>>
          %dma_start3A_508 = tpu.memref_slice %arg5[%add3A_507] : memref<160000xi32, #tpu.memory_space<hbm>> -> memref<1600xi32, #tpu.memory_space<hbm>>
          %dma_start3A_509 = tpu.memref_slice %arg5[%add3A_507] : memref<160000xi32, #tpu.memory_space<hbm>> -> memref<1600xi32, #tpu.memory_space<hbm>>
          tpu.enqueue_dma source(%dma_start3A_509 : memref<1600xi32, #tpu.memory_space<hbm>>) target(%arg10 : memref<1600xi32, #tpu.memory_space<vmem>>) target_semaphore(%run_scoped3A : memref<!tpu.dma_semaphore, #tpu.memory_space<semaphore_mem>>)
          %dma_wait3A_510 = tpu.memref_slice %arg5[%add3A_507] : memref<160000xi32, #tpu.memory_space<hbm>> -> memref<1600xi32, #tpu.memory_space<hbm>>
          %dma_wait3A_511 = tpu.memref_slice %arg5[%add3A_507] : memref<160000xi32, #tpu.memory_space<hbm>> -> memref<1600xi32, #tpu.memory_space<hbm>>
          tpu.wait_dma2 semaphore(%run_scoped3A : memref<!tpu.dma_semaphore, #tpu.memory_space<semaphore_mem>>) src(%dma_wait3A_511 : memref<1600xi32, #tpu.memory_space<hbm>>) dst(%arg10 : memref<1600xi32, #tpu.memory_space<vmem>>)
          tpu.yield
        }) : () -> ()
      } else {
      }
      %add3A_393 = arith.constant 2 : i32
      %add3A_394 = arith.addi %mul3A_290, %add3A_393 : i32
      %rem3A_395 = arith.constant 20 : i32
      %rem3A_396 = arith.remsi %add3A_394, %rem3A_395 : i32
      %mul3A_397 = arith.constant 80 : i32
      %mul3A_398 = arith.muli %rem3A_396, %mul3A_397 : i32
      %add3A_399 = arith.constant 0 : i32
      %add3A_400 = arith.addi %mul3A_398, %add3A_399 : i32
      %get3A_401 = arith.index_cast %add3A_400 : i32 to index
      %get3A_402 = tpu.vector_load %arg9[%get3A_401] {strides = array<i32>} : memref<1600xi32, #tpu.memory_space<vmem>>, vector<16xi32>,
      %add3A_403 = arith.constant 0 : i32
      %add3A_404 = arith.addi %mul3A_398, %add3A_403 : i32
      %get3A_405 = arith.index_cast %add3A_404 : i32 to index
      %get3A_406 = tpu.vector_load %arg10[%get3A_405] {strides = array<i32>} : memref<1600xi32, #tpu.memory_space<vmem>>, vector<16xi32>,
      %add3A_407 = vector.broadcast %mul3A_2 : i32 to vector<16xi32>
      %add3A_408 = arith.addi %get3A_402, %add3A_407 : vector<16xi32>
      %swap3A_409 = arith.constant 0 : index
      %swap3A_410 = tpu.vector_load %arg11[%swap3A_409] {strides = array<i32>} : memref<80xi32, #tpu.memory_space<vmem>>, vector<16xi32>,
      tpu.vector_store %arg11[%swap3A_409], %add3A_408 {strides = array<i32>} : memref<80xi32, #tpu.memory_space<vmem>>, vector<16xi32>,
      %swap3A_411 = arith.constant 0 : index
      %swap3A_412 = tpu.vector_load %arg13[%swap3A_411] {strides = array<i32>} : memref<80xi32, #tpu.memory_space<vmem>>, vector<16xi32>,
      tpu.vector_store %arg13[%swap3A_411], %get3A_406 {strides = array<i32>} : memref<80xi32, #tpu.memory_space<vmem>>, vector<16xi32>,
      %gather3A_413 = tpu.vector_load_idx %arg17[%get3A_406] : memref<10240xf32, #tpu.memory_space<vmem>>[vector<16xi32>], vector<16xf32>,
      tpu.vector_store_idx %arg18[%get3A_402], %gather3A_413 {add = true} : memref<10240xf32, #tpu.memory_space<vmem>>[vector<16xi32>], vector<16xf32>,
      %add3A_414 = arith.constant 16 : i32
      %add3A_415 = arith.addi %mul3A_398, %add3A_414 : i32
      %get3A_416 = arith.index_cast %add3A_415 : i32 to index
      %get3A_417 = tpu.vector_load %arg9[%get3A_416] {strides = array<i32>} : memref<1600xi32, #tpu.memory_space<vmem>>, vector<16xi32>,
      %add3A_418 = arith.constant 16 : i32
      %add3A_419 = arith.addi %mul3A_398, %add3A_418 : i32
      %get3A_420 = arith.index_cast %add3A_419 : i32 to index
      %get3A_421 = tpu.vector_load %arg10[%get3A_420] {strides = array<i32>} : memref<1600xi32, #tpu.memory_space<vmem>>, vector<16xi32>,
      %add3A_422 = vector.broadcast %mul3A_2 : i32 to vector<16xi32>
      %add3A_423 = arith.addi %get3A_417, %add3A_422 : vector<16xi32>
      %swap3A_424 = arith.constant 16 : index
      %swap3A_425 = tpu.vector_load %arg11[%swap3A_424] {strides = array<i32>} : memref<80xi32, #tpu.memory_space<vmem>>, vector<16xi32>,
      tpu.vector_store %arg11[%swap3A_424], %add3A_423 {strides = array<i32>} : memref<80xi32, #tpu.memory_space<vmem>>, vector<16xi32>,
      %swap3A_426 = arith.constant 16 : index
      %swap3A_427 = tpu.vector_load %arg13[%swap3A_426] {strides = array<i32>} : memref<80xi32, #tpu.memory_space<vmem>>, vector<16xi32>,
      tpu.vector_store %arg13[%swap3A_426], %get3A_421 {strides = array<i32>} : memref<80xi32, #tpu.memory_space<vmem>>, vector<16xi32>,
      %gather3A_428 = tpu.vector_load_idx %arg17[%get3A_421] : memref<10240xf32, #tpu.memory_space<vmem>>[vector<16xi32>], vector<16xf32>,
      tpu.vector_store_idx %arg18[%get3A_417], %gather3A_428 {add = true} : memref<10240xf32, #tpu.memory_space<vmem>>[vector<16xi32>], vector<16xf32>,
      %add3A_429 = arith.constant 32 : i32
      %add3A_430 = arith.addi %mul3A_398, %add3A_429 : i32
      %get3A_431 = arith.index_cast %add3A_430 : i32 to index
      %get3A_432 = tpu.vector_load %arg9[%get3A_431] {strides = array<i32>} : memref<1600xi32, #tpu.memory_space<vmem>>, vector<16xi32>,
      %add3A_433 = arith.constant 32 : i32
      %add3A_434 = arith.addi %mul3A_398, %add3A_433 : i32
      %get3A_435 = arith.index_cast %add3A_434 : i32 to index
      %get3A_436 = tpu.vector_load %arg10[%get3A_435] {strides = array<i32>} : memref<1600xi32, #tpu.memory_space<vmem>>, vector<16xi32>,
      %add3A_437 = vector.broadcast %mul3A_2 : i32 to vector<16xi32>
      %add3A_438 = arith.addi %get3A_432, %add3A_437 : vector<16xi32>
      %swap3A_439 = arith.constant 32 : index
      %swap3A_440 = tpu.vector_load %arg11[%swap3A_439] {strides = array<i32>} : memref<80xi32, #tpu.memory_space<vmem>>, vector<16xi32>,
      tpu.vector_store %arg11[%swap3A_439], %add3A_438 {strides = array<i32>} : memref<80xi32, #tpu.memory_space<vmem>>, vector<16xi32>,
      %swap3A_441 = arith.constant 32 : index
      %swap3A_442 = tpu.vector_load %arg13[%swap3A_441] {strides = array<i32>} : memref<80xi32, #tpu.memory_space<vmem>>, vector<16xi32>,
      tpu.vector_store %arg13[%swap3A_441], %get3A_436 {strides = array<i32>} : memref<80xi32, #tpu.memory_space<vmem>>, vector<16xi32>,
      %gather3A_443 = tpu.vector_load_idx %arg17[%get3A_436] : memref<10240xf32, #tpu.memory_space<vmem>>[vector<16xi32>], vector<16xf32>,
      tpu.vector_store_idx %arg18[%get3A_432], %gather3A_443 {add = true} : memref<10240xf32, #tpu.memory_space<vmem>>[vector<16xi32>], vector<16xf32>,
      %add3A_444 = arith.constant 48 : i32
      %add3A_445 = arith.addi %mul3A_398, %add3A_444 : i32
      %get3A_446 = arith.index_cast %add3A_445 : i32 to index
      %get3A_447 = tpu.vector_load %arg9[%get3A_446] {strides = array<i32>} : memref<1600xi32, #tpu.memory_space<vmem>>, vector<16xi32>,
      %add3A_448 = arith.constant 48 : i32
      %add3A_449 = arith.addi %mul3A_398, %add3A_448 : i32
      %get3A_450 = arith.index_cast %add3A_449 : i32 to index
      %get3A_451 = tpu.vector_load %arg10[%get3A_450] {strides = array<i32>} : memref<1600xi32, #tpu.memory_space<vmem>>, vector<16xi32>,
      %add3A_452 = vector.broadcast %mul3A_2 : i32 to vector<16xi32>
      %add3A_453 = arith.addi %get3A_447, %add3A_452 : vector<16xi32>
      %swap3A_454 = arith.constant 48 : index
      %swap3A_455 = tpu.vector_load %arg11[%swap3A_454] {strides = array<i32>} : memref<80xi32, #tpu.memory_space<vmem>>, vector<16xi32>,
      tpu.vector_store %arg11[%swap3A_454], %add3A_453 {strides = array<i32>} : memref<80xi32, #tpu.memory_space<vmem>>, vector<16xi32>,
      %swap3A_456 = arith.constant 48 : index
      %swap3A_457 = tpu.vector_load %arg13[%swap3A_456] {strides = array<i32>} : memref<80xi32, #tpu.memory_space<vmem>>, vector<16xi32>,
      tpu.vector_store %arg13[%swap3A_456], %get3A_451 {strides = array<i32>} : memref<80xi32, #tpu.memory_space<vmem>>, vector<16xi32>,
      %gather3A_458 = tpu.vector_load_idx %arg17[%get3A_451] : memref<10240xf32, #tpu.memory_space<vmem>>[vector<16xi32>], vector<16xf32>,
      tpu.vector_store_idx %arg18[%get3A_447], %gather3A_458 {add = true} : memref<10240xf32, #tpu.memory_space<vmem>>[vector<16xi32>], vector<16xf32>,
      %add3A_459 = arith.constant 64 : i32
      %add3A_460 = arith.addi %mul3A_398, %add3A_459 : i32
      %get3A_461 = arith.index_cast %add3A_460 : i32 to index
      %get3A_462 = tpu.vector_load %arg9[%get3A_461] {strides = array<i32>} : memref<1600xi32, #tpu.memory_space<vmem>>, vector<16xi32>,
      %add3A_463 = arith.constant 64 : i32
      %add3A_464 = arith.addi %mul3A_398, %add3A_463 : i32
      %get3A_465 = arith.index_cast %add3A_464 : i32 to index
      %get3A_466 = tpu.vector_load %arg10[%get3A_465] {strides = array<i32>} : memref<1600xi32, #tpu.memory_space<vmem>>, vector<16xi32>,
      %add3A_467 = vector.broadcast %mul3A_2 : i32 to vector<16xi32>
      %add3A_468 = arith.addi %get3A_462, %add3A_467 : vector<16xi32>
      %swap3A_469 = arith.constant 64 : index
      %swap3A_470 = tpu.vector_load %arg11[%swap3A_469] {strides = array<i32>} : memref<80xi32, #tpu.memory_space<vmem>>, vector<16xi32>,
      tpu.vector_store %arg11[%swap3A_469], %add3A_468 {strides = array<i32>} : memref<80xi32, #tpu.memory_space<vmem>>, vector<16xi32>,
      %swap3A_471 = arith.constant 64 : index
      %swap3A_472 = tpu.vector_load %arg13[%swap3A_471] {strides = array<i32>} : memref<80xi32, #tpu.memory_space<vmem>>, vector<16xi32>,
      tpu.vector_store %arg13[%swap3A_471], %get3A_466 {strides = array<i32>} : memref<80xi32, #tpu.memory_space<vmem>>, vector<16xi32>,
      %gather3A_473 = tpu.vector_load_idx %arg17[%get3A_466] : memref<10240xf32, #tpu.memory_space<vmem>>[vector<16xi32>], vector<16xf32>,
      tpu.vector_store_idx %arg18[%get3A_462], %gather3A_473 {add = true} : memref<10240xf32, #tpu.memory_space<vmem>>[vector<16xi32>], vector<16xf32>,
      %dma_start3A_474 = arith.constant 0 : i32
      %dma_start3A_475 = arith.constant 0 : i32
      %dma_start3A_476 = tpu.memref_slice %arg2[%dma_start3A_474, %dma_start3A_475] : memref<20480x128xf32, #tpu.memory_space<hbm>> -> memref<20480x128xf32, #tpu.memory_space<hbm>>
      tpu.enqueue_indirect_dma source(%dma_start3A_476 : memref<20480x128xf32, #tpu.memory_space<hbm>>) target(%arg15 : memref<80x128xf32, #tpu.memory_space<vmem>>) offsets(%arg11 : memref<80xi32, #tpu.memory_space<vmem>>) semaphore(%arg20 : memref<!tpu.dma_semaphore, #tpu.memory_space<semaphore_mem>>)
      %dma_wait3A_477 = arith.constant 0 : i32
      %dma_wait3A_478 = arith.constant 0 : i32
      %dma_wait3A_479 = tpu.memref_slice %arg2[%dma_wait3A_477, %dma_wait3A_478] : memref<20480x128xf32, #tpu.memory_space<hbm>> -> memref<20480x128xf32, #tpu.memory_space<hbm>>
      tpu.wait_indirect_dma semaphore(%arg21 : memref<!tpu.dma_semaphore, #tpu.memory_space<semaphore_mem>>) src(%dma_wait3A_479 : memref<20480x128xf32, #tpu.memory_space<hbm>>) dst(%arg16 : memref<80x128xf32, #tpu.memory_space<vmem>>)
      %dma_start3A_480 = arith.constant 0 : i32
      %dma_start3A_481 = arith.constant 0 : i32
      %dma_start3A_482 = tpu.memref_slice %arg19[%dma_start3A_480, %dma_start3A_481] : memref<10240x128xf32, #tpu.memory_space<vmem_shared>> -> memref<10240x128xf32, #tpu.memory_space<vmem_shared>>
      tpu.enqueue_indirect_dma source(%arg16 : memref<80x128xf32, #tpu.memory_space<vmem>>) target(%dma_start3A_482 : memref<10240x128xf32, #tpu.memory_space<vmem_shared>>) offsets(%arg14 : memref<80xi32, #tpu.memory_space<vmem>>) semaphore(%arg23 : memref<!tpu.dma_semaphore, #tpu.memory_space<semaphore_mem>>) {add = true}
    }
    %scan3A_276 = arith.constant 61 : i32
    %dma_wait3A_277 = arith.constant 0 : i32
    %dma_wait3A_278 = arith.constant 0 : i32
    %dma_wait3A_279 = tpu.memref_slice %arg19[%dma_wait3A_277, %dma_wait3A_278] : memref<10240x128xf32, #tpu.memory_space<vmem_shared>> -> memref<10240x128xf32, #tpu.memory_space<vmem_shared>>
    tpu.wait_indirect_dma semaphore(%arg23 : memref<!tpu.dma_semaphore, #tpu.memory_space<semaphore_mem>>) src(%arg16 : memref<80x128xf32, #tpu.memory_space<vmem>>) dst(%dma_wait3A_279 : memref<10240x128xf32, #tpu.memory_space<vmem_shared>>)
    %dma_wait3A_280 = arith.constant 0 : i32
    %dma_wait3A_281 = arith.constant 0 : i32
    %dma_wait3A_282 = tpu.memref_slice %arg2[%dma_wait3A_280, %dma_wait3A_281] : memref<20480x128xf32, #tpu.memory_space<hbm>> -> memref<20480x128xf32, #tpu.memory_space<hbm>>
    tpu.wait_indirect_dma semaphore(%arg20 : memref<!tpu.dma_semaphore, #tpu.memory_space<semaphore_mem>>) src(%dma_wait3A_282 : memref<20480x128xf32, #tpu.memory_space<hbm>>) dst(%arg15 : memref<80x128xf32, #tpu.memory_space<vmem>>)
    "tpu.region"() ({
      %run_scoped3A = tpu.sem_alloc : memref<!tpu.dma_semaphore, #tpu.memory_space<semaphore_mem>>
      %dma_start3A_288 = arith.constant 0 : i32
      %dma_start3A_289 = arith.constant 0 : i32
      %dma_start3A_290 = tpu.memref_slice %arg19[%dma_start3A_288, %dma_start3A_289] : memref<10240x128xf32, #tpu.memory_space<vmem_shared>> -> memref<10240x128xf32, #tpu.memory_space<vmem_shared>>
      tpu.enqueue_indirect_dma source(%arg15 : memref<80x128xf32, #tpu.memory_space<vmem>>) target(%dma_start3A_290 : memref<10240x128xf32, #tpu.memory_space<vmem_shared>>) offsets(%arg13 : memref<80xi32, #tpu.memory_space<vmem>>) semaphore(%run_scoped3A : memref<!tpu.dma_semaphore, #tpu.memory_space<semaphore_mem>>) {add = true}
      %dma_wait3A_291 = arith.constant 0 : i32
      %dma_wait3A_292 = arith.constant 0 : i32
      %dma_wait3A_293 = tpu.memref_slice %arg19[%dma_wait3A_291, %dma_wait3A_292] : memref<10240x128xf32, #tpu.memory_space<vmem_shared>> -> memref<10240x128xf32, #tpu.memory_space<vmem_shared>>
      tpu.wait_indirect_dma semaphore(%run_scoped3A : memref<!tpu.dma_semaphore, #tpu.memory_space<semaphore_mem>>) src(%arg15 : memref<80x128xf32, #tpu.memory_space<vmem>>) dst(%dma_wait3A_293 : memref<10240x128xf32, #tpu.memory_space<vmem_shared>>)
      tpu.yield
    }) : () -> ()
    %barrier3A_283 = arith.constant 0 : index
    tpu.barrier barrier_id(%barrier3A_283)
    %mul3A_284 = arith.constant 640 : i32
    %mul3A_285 = arith.muli %arg1, %mul3A_284 : i32
    %mul3A_286 = arith.constant 640 : i32
    %mul3A_287 = arith.muli %arg1, %mul3A_286 : i32
    "tpu.region"() ({
      %run_scoped3A = tpu.sem_alloc : memref<!tpu.dma_semaphore, #tpu.memory_space<semaphore_mem>>
      %dma_start3A_288 = arith.constant 0 : i32
      %dma_start3A_289 = tpu.memref_slice %arg7[%arg0, %mul3A_287, %dma_start3A_288] : memref<2x10240x128xf32, #tpu.memory_space<hbm>> -> memref<1x640x128xf32, #tpu.memory_space<hbm>>
      %dma_start3A_290 = tpu.memref_squeeze %dma_start3A_289 : memref<1x640x128xf32, #tpu.memory_space<hbm>> -> memref<640x128xf32, #tpu.memory_space<hbm>>
      %dma_start3A_291 = arith.constant 0 : i32
      %dma_start3A_292 = tpu.memref_slice %arg19[%mul3A_285, %dma_start3A_291] : memref<10240x128xf32, #tpu.memory_space<vmem_shared>> -> memref<640x128xf32, #tpu.memory_space<vmem_shared>>
      tpu.enqueue_dma source(%dma_start3A_292 : memref<640x128xf32, #tpu.memory_space<vmem_shared>>) target(%dma_start3A_290 : memref<640x128xf32, #tpu.memory_space<hbm>>) target_semaphore(%run_scoped3A : memref<!tpu.dma_semaphore, #tpu.memory_space<semaphore_mem>>)
      %dma_wait3A_293 = arith.constant 0 : i32
      %dma_wait3A_294 = tpu.memref_slice %arg7[%arg0, %mul3A_287, %dma_wait3A_293] : memref<2x10240x128xf32, #tpu.memory_space<hbm>> -> memref<1x640x128xf32, #tpu.memory_space<hbm>>
      %dma_wait3A_295 = tpu.memref_squeeze %dma_wait3A_294 : memref<1x640x128xf32, #tpu.memory_space<hbm>> -> memref<640x128xf32, #tpu.memory_space<hbm>>
      %dma_wait3A_296 = arith.constant 0 : i32
      %dma_wait3A_297 = tpu.memref_slice %arg19[%mul3A_285, %dma_wait3A_296] : memref<10240x128xf32, #tpu.memory_space<vmem_shared>> -> memref<640x128xf32, #tpu.memory_space<vmem_shared>>
      tpu.wait_dma2 semaphore(%run_scoped3A : memref<!tpu.dma_semaphore, #tpu.memory_space<semaphore_mem>>) src(%dma_wait3A_297 : memref<640x128xf32, #tpu.memory_space<vmem_shared>>) dst(%dma_wait3A_295 : memref<640x128xf32, #tpu.memory_space<hbm>>)
      tpu.yield
    }) : () -> ()
    "tpu.region"() ({
      %run_scoped3A = tpu.sem_alloc : memref<!tpu.dma_semaphore, #tpu.memory_space<semaphore_mem>>
      %dma_start3A_288 = arith.constant 0 : i32
      %dma_start3A_289 = tpu.memref_slice %arg8[%arg0, %arg1, %dma_start3A_288] : memref<2x16x10240xf32, #tpu.memory_space<hbm>> -> memref<1x1x10240xf32, #tpu.memory_space<hbm>>
      %dma_start3A_290 = tpu.memref_squeeze %dma_start3A_289 : memref<1x1x10240xf32, #tpu.memory_space<hbm>> -> memref<10240xf32, #tpu.memory_space<hbm>>
      %dma_start3A_291 = arith.constant 0 : i32
      %dma_start3A_292 = tpu.memref_slice %arg8[%arg0, %arg1, %dma_start3A_291] : memref<2x16x10240xf32, #tpu.memory_space<hbm>> -> memref<1x1x10240xf32, #tpu.memory_space<hbm>>
      %dma_start3A_293 = tpu.memref_squeeze %dma_start3A_292 : memref<1x1x10240xf32, #tpu.memory_space<hbm>> -> memref<10240xf32, #tpu.memory_space<hbm>>
      tpu.enqueue_dma source(%arg18 : memref<10240xf32, #tpu.memory_space<vmem>>) target(%dma_start3A_293 : memref<10240xf32, #tpu.memory_space<hbm>>) target_semaphore(%run_scoped3A : memref<!tpu.dma_semaphore, #tpu.memory_space<semaphore_mem>>)
      %dma_wait3A_294 = arith.constant 0 : i32
      %dma_wait3A_295 = tpu.memref_slice %arg8[%arg0, %arg1, %dma_wait3A_294] : memref<2x16x10240xf32, #tpu.memory_space<hbm>> -> memref<1x1x10240xf32, #tpu.memory_space<hbm>>
      %dma_wait3A_296 = tpu.memref_squeeze %dma_wait3A_295 : memref<1x1x10240xf32, #tpu.memory_space<hbm>> -> memref<10240xf32, #tpu.memory_space<hbm>>
      %dma_wait3A_297 = arith.constant 0 : i32
      %dma_wait3A_298 = tpu.memref_slice %arg8[%arg0, %arg1, %dma_wait3A_297] : memref<2x16x10240xf32, #tpu.memory_space<hbm>> -> memref<1x1x10240xf32, #tpu.memory_space<hbm>>
      %dma_wait3A_299 = tpu.memref_squeeze %dma_wait3A_298 : memref<1x1x10240xf32, #tpu.memory_space<hbm>> -> memref<10240xf32, #tpu.memory_space<hbm>>
      tpu.wait_dma2 semaphore(%run_scoped3A : memref<!tpu.dma_semaphore, #tpu.memory_space<semaphore_mem>>) src(%arg18 : memref<10240xf32, #tpu.memory_space<vmem>>) dst(%dma_wait3A_299 : memref<10240xf32, #tpu.memory_space<hbm>>)
      tpu.yield
    }) : () -> ()
    return
  }
}

module attributes {stable_mosaic.version = 14 : i64} {
  func.func @_tc_scale_matmul_body(%arg0: i32, %arg1: memref<2x16x512xf32, #tpu.memory_space<vmem>>, %arg2: memref<512x256xf32, #tpu.memory_space<vmem>>, %arg3: memref<256x256xf32, #tpu.memory_space<vmem>>, %arg4: memref<2x512x128xf32, #tpu.memory_space<vmem>>, %arg5: memref<512xf32, #tpu.memory_space<vmem>>, %arg6: memref<512xf32, #tpu.memory_space<vmem>>) attributes {dimension_semantics = [#tpu.dimension_semantics<arbitrary>], iteration_bounds = array<i64: 20>, scalar_prefetch = 0 : i64, scratch_operands = 0 : i64, tpu.core_type = #tpu.core_type<tc>, window_params = [{transform_indices = @transform_0, window_bounds = array<i64: 2, 16, 512>}, {transform_indices = @transform_1, window_bounds = array<i64: 512, 256>}, {pipeline_mode = #tpu.pipeline_mode<synchronous>, transform_indices = @transform_2, window_bounds = array<i64: 256, 256>}, {transform_indices = @transform_3, window_bounds = array<i64: 2, 512, 128>}, {transform_indices = @transform_4, window_bounds = array<i64: 512>}, {transform_indices = @transform_5, window_bounds = array<i64: 512>}]} {
    %get3A = arith.constant 0 : index
    %get3A_0 = arith.constant 0 : index
    %get3A_1 = arith.constant 0 : index
    %get3A_2 = vector.load %arg1[%get3A, %get3A_0, %get3A_1] : memref<2x16x512xf32, #tpu.memory_space<vmem>>, vector<2x16x512xf32>
    %reduce_sum3A = arith.constant dense<0.000000e+00> : vector<2x512xf32>
    %reduce_sum3A_3 = vector.multi_reduction <add>, %get3A_2, %reduce_sum3A [1] : vector<2x16x512xf32> to vector<2x512xf32>
    %jit3A = arith.constant 1.000000e+00 : f32
    %max3A = vector.broadcast %jit3A : f32 to vector<2x512xf32>
    %max3A_4 = arith.maximumf %max3A, %reduce_sum3A_3 : vector<2x512xf32>
    %rsqrt3A = math.rsqrt %max3A_4 : vector<2x512xf32>
    %slice3A = vector.extract_strided_slice %rsqrt3A {offsets = [0, 0], sizes = [1, 512], strides = [1, 1]} : vector<2x512xf32> to vector<1x512xf32>
    %squeeze3A = vector.shape_cast %slice3A : vector<1x512xf32> to vector<512xf32>
    %slice3A_5 = vector.extract_strided_slice %rsqrt3A {offsets = [1, 0], sizes = [1, 512], strides = [1, 1]} : vector<2x512xf32> to vector<1x512xf32>
    %squeeze3A_6 = vector.shape_cast %slice3A_5 : vector<1x512xf32> to vector<512xf32>
    %get3A_7 = arith.constant 0 : index
    %get3A_8 = arith.constant 0 : index
    %get3A_9 = vector.load %arg2[%get3A_7, %get3A_8] : memref<512x256xf32, #tpu.memory_space<vmem>>, vector<512x256xf32>
    %get3A_10 = arith.constant 0 : index
    %get3A_11 = arith.constant 0 : index
    %get3A_12 = vector.load %arg3[%get3A_10, %get3A_11] : memref<256x256xf32, #tpu.memory_space<vmem>>, vector<256x256xf32>
    %dot_general3A = arith.constant dense<0.000000e+00> : vector<512x256xf32>
    %dot_general3A_13 = tpu.matmul %get3A_9, %get3A_12, %dot_general3A {dimension_numbers = #tpu.dot_dimension_numbers<[1], [0], [0], [1], [0, 0, 1, 1], [], []>, transpose_lhs_hint = false} : vector<512x256xf32>, vector<256x256xf32>, vector<512x256xf32> -> vector<512x256xf32>
    %broadcast_in_dim3A = vector.shape_cast %squeeze3A : vector<512xf32> to vector<512x1xf32>
    %mul3A = vector.broadcast %broadcast_in_dim3A : vector<512x1xf32> to vector<512x256xf32>
    %mul3A_14 = arith.mulf %dot_general3A_13, %mul3A : vector<512x256xf32>
    %slice3A_15 = vector.extract_strided_slice %mul3A_14 {offsets = [0, 0], sizes = [512, 128], strides = [1, 1]} : vector<512x256xf32> to vector<512x128xf32>
    %swap3A = arith.constant 0 : index
    %swap3A_16 = arith.constant 0 : index
    %swap3A_17 = arith.constant 0 : index
    %swap3A_18 = vector.load %arg4[%swap3A, %swap3A_16, %swap3A_17] : memref<2x512x128xf32, #tpu.memory_space<vmem>>, vector<1x512x128xf32>
    %swap3A_19 = vector.shape_cast %swap3A_18 : vector<1x512x128xf32> to vector<512x128xf32>
    %swap3A_20 = vector.shape_cast %slice3A_15 : vector<512x128xf32> to vector<1x512x128xf32>
    tpu.vector_store %arg4[%swap3A, %swap3A_16, %swap3A_17], %swap3A_20 {strides = array<i32>} : memref<2x512x128xf32, #tpu.memory_space<vmem>>, vector<1x512x128xf32>,
    %slice3A_21 = vector.extract_strided_slice %mul3A_14 {offsets = [0, 128], sizes = [512, 128], strides = [1, 1]} : vector<512x256xf32> to vector<512x128xf32>
    %swap3A_22 = arith.constant 1 : index
    %swap3A_23 = arith.constant 0 : index
    %swap3A_24 = arith.constant 0 : index
    %swap3A_25 = vector.load %arg4[%swap3A_22, %swap3A_23, %swap3A_24] : memref<2x512x128xf32, #tpu.memory_space<vmem>>, vector<1x512x128xf32>
    %swap3A_26 = vector.shape_cast %swap3A_25 : vector<1x512x128xf32> to vector<512x128xf32>
    %swap3A_27 = vector.shape_cast %slice3A_21 : vector<512x128xf32> to vector<1x512x128xf32>
    tpu.vector_store %arg4[%swap3A_22, %swap3A_23, %swap3A_24], %swap3A_27 {strides = array<i32>} : memref<2x512x128xf32, #tpu.memory_space<vmem>>, vector<1x512x128xf32>,
    %swap3A_28 = arith.constant 0 : index
    %swap3A_29 = vector.load %arg5[%swap3A_28] : memref<512xf32, #tpu.memory_space<vmem>>, vector<512xf32>
    tpu.vector_store %arg5[%swap3A_28], %squeeze3A_6 {strides = array<i32>} : memref<512xf32, #tpu.memory_space<vmem>>, vector<512xf32>,
    %swap3A_30 = arith.constant 0 : index
    %swap3A_31 = vector.load %arg6[%swap3A_30] : memref<512xf32, #tpu.memory_space<vmem>>, vector<512xf32>
    tpu.vector_store %arg6[%swap3A_30], %squeeze3A {strides = array<i32>} : memref<512xf32, #tpu.memory_space<vmem>>, vector<512xf32>,
    return
  }
  func.func @transform_0(%arg0: i32) -> (i32, i32, i32) {
    %c0_i32 = arith.constant 0 : i32
    %c0_i32_0 = arith.constant 0 : i32
    %c0_i32_1 = arith.constant 0 : i32
    return %c0_i32, %c0_i32_0, %arg0 : i32, i32, i32
  }
  func.func @transform_1(%arg0: i32) -> (i32, i32) {
    %c0_i32 = arith.constant 0 : i32
    %c0_i32_0 = arith.constant 0 : i32
    return %arg0, %c0_i32 : i32, i32
  }
  func.func @transform_2(%arg0: i32) -> (i32, i32) {
    %c0_i32 = arith.constant 0 : i32
    %c0_i32_0 = arith.constant 0 : i32
    %c0_i32_1 = arith.constant 0 : i32
    return %c0_i32, %c0_i32_0 : i32, i32
  }
  func.func @transform_3(%arg0: i32) -> (i32, i32, i32) {
    %c0_i32 = arith.constant 0 : i32
    %c0_i32_0 = arith.constant 0 : i32
    %c0_i32_1 = arith.constant 0 : i32
    return %c0_i32, %arg0, %c0_i32_0 : i32, i32, i32
  }
  func.func @transform_4(%arg0: i32) -> i32 {
    %c0_i32 = arith.constant 0 : i32
    return %arg0 : i32
  }
  func.func @transform_5(%arg0: i32) -> i32 {
    %c0_i32 = arith.constant 0 : i32
    return %arg0 : i32
  }
}

module attributes {stable_mosaic.version = 14 : i64} {
  func.func @_tc_final_body(%arg0: i32, %arg1: memref<2x512x128xf32, #tpu.memory_space<vmem>>, %arg2: memref<512xf32, #tpu.memory_space<vmem>>, %arg3: memref<512xf32, #tpu.memory_space<vmem>>, %arg4: memref<2x16x512xf32, #tpu.memory_space<vmem>>, %arg5: memref<1x256xf32, #tpu.memory_space<vmem>>, %arg6: memref<256x64xf32, #tpu.memory_space<vmem>>, %arg7: memref<1x64xf32, #tpu.memory_space<vmem>>, %arg8: memref<1x64xf32, #tpu.memory_space<vmem>>, %arg9: memref<1x256xf32, #tpu.memory_space<vmem>>) attributes {dimension_semantics = [#tpu.dimension_semantics<arbitrary>], iteration_bounds = array<i64: 20>, scalar_prefetch = 0 : i64, scratch_operands = 1 : i64, tpu.core_type = #tpu.core_type<tc>, window_params = [{transform_indices = @transform_0, window_bounds = array<i64: 2, 512, 128>}, {transform_indices = @transform_1, window_bounds = array<i64: 512>}, {transform_indices = @transform_2, window_bounds = array<i64: 512>}, {transform_indices = @transform_3, window_bounds = array<i64: 2, 16, 512>}, {pipeline_mode = #tpu.pipeline_mode<synchronous>, transform_indices = @transform_4, window_bounds = array<i64: 1, 256>}, {pipeline_mode = #tpu.pipeline_mode<synchronous>, transform_indices = @transform_5, window_bounds = array<i64: 256, 64>}, {pipeline_mode = #tpu.pipeline_mode<synchronous>, transform_indices = @transform_6, window_bounds = array<i64: 1, 64>}, {pipeline_mode = #tpu.pipeline_mode<synchronous>, transform_indices = @transform_7, window_bounds = array<i64: 1, 64>}]} {
    %eq3A = arith.constant 0 : i32
    %eq3A_0 = arith.cmpi eq, %arg0, %eq3A : i32
    %convert_element_type3A = arith.extui %eq3A_0 : i1 to i32
    %cond3A = arith.constant 0 : i32
    %cond3A_1 = arith.cmpi ne, %convert_element_type3A, %cond3A : i32
    scf.if %cond3A_1 {
      %broadcast_in_dim3A_60 = arith.constant 0.000000e+00 : f32
      %broadcast_in_dim3A_61 = vector.broadcast %broadcast_in_dim3A_60 : f32 to vector<1x256xf32>
      %swap3A_62 = arith.constant 0 : index
      %swap3A_63 = arith.constant 0 : index
      %swap3A_64 = vector.load %arg9[%swap3A_62, %swap3A_63] : memref<1x256xf32, #tpu.memory_space<vmem>>, vector<1x256xf32>
      tpu.vector_store %arg9[%swap3A_62, %swap3A_63], %broadcast_in_dim3A_61 {strides = array<i32>} : memref<1x256xf32, #tpu.memory_space<vmem>>, vector<1x256xf32>,
    } else {
    }
    %get3A = arith.constant 0 : index
    %get3A_2 = vector.load %arg2[%get3A] : memref<512xf32, #tpu.memory_space<vmem>>, vector<512xf32>
    %get3A_3 = arith.constant 0 : index
    %get3A_4 = arith.constant 0 : index
    %get3A_5 = arith.constant 0 : index
    %get3A_6 = vector.load %arg4[%get3A_3, %get3A_4, %get3A_5] : memref<2x16x512xf32, #tpu.memory_space<vmem>>, vector<2x16x512xf32>
    %reduce_sum3A = arith.constant dense<0.000000e+00> : vector<512xf32>
    %reduce_sum3A_7 = vector.multi_reduction <add>, %get3A_6, %reduce_sum3A [0, 1] : vector<2x16x512xf32> to vector<512xf32>
    %mul3A = arith.constant 5.000000e-01 : f32
    %mul3A_8 = vector.broadcast %mul3A : f32 to vector<512xf32>
    %mul3A_9 = arith.mulf %reduce_sum3A_7, %mul3A_8 : vector<512xf32>
    %get3A_10 = arith.constant 0 : index
    %get3A_11 = vector.load %arg3[%get3A_10] : memref<512xf32, #tpu.memory_space<vmem>>, vector<512xf32>
    %mul3A_12 = arith.mulf %get3A_11, %mul3A_9 : vector<512xf32>
    %get3A_13 = arith.constant 0 : index
    %get3A_14 = arith.constant 0 : index
    %get3A_15 = vector.load %arg5[%get3A_13, %get3A_14] : memref<1x256xf32, #tpu.memory_space<vmem>>, vector<1x256xf32>
    %get3A_16 = arith.constant 0 : index
    %get3A_17 = arith.constant 0 : index
    %get3A_18 = arith.constant 0 : index
    %get3A_19 = vector.load %arg1[%get3A_16, %get3A_17, %get3A_18] : memref<2x512x128xf32, #tpu.memory_space<vmem>>, vector<2x512x128xf32>
    %broadcast_in_dim3A = vector.shape_cast %get3A_2 : vector<512xf32> to vector<512x1xf32>
    %slice3A = vector.extract_strided_slice %get3A_19 {offsets = [0, 0, 0], sizes = [1, 512, 128], strides = [1, 1, 1]} : vector<2x512x128xf32> to vector<1x512x128xf32>
    %squeeze3A = vector.shape_cast %slice3A : vector<1x512x128xf32> to vector<512x128xf32>
    %mul3A_20 = vector.broadcast %broadcast_in_dim3A : vector<512x1xf32> to vector<512x128xf32>
    %mul3A_21 = arith.mulf %mul3A_20, %squeeze3A : vector<512x128xf32>
    %slice3A_22 = vector.extract_strided_slice %get3A_15 {offsets = [0, 0], sizes = [1, 128], strides = [1, 1]} : vector<1x256xf32> to vector<1x128xf32>
    %add3A = vector.broadcast %slice3A_22 : vector<1x128xf32> to vector<512x128xf32>
    %add3A_23 = arith.addf %mul3A_21, %add3A : vector<512x128xf32>
    %max3A = arith.constant 0.000000e+00 : f32
    %max3A_24 = vector.broadcast %max3A : f32 to vector<512x128xf32>
    %max3A_25 = arith.maximumf %add3A_23, %max3A_24 : vector<512x128xf32>
    %broadcast_in_dim3A_26 = vector.shape_cast %get3A_2 : vector<512xf32> to vector<512x1xf32>
    %slice3A_27 = vector.extract_strided_slice %get3A_19 {offsets = [1, 0, 0], sizes = [1, 512, 128], strides = [1, 1, 1]} : vector<2x512x128xf32> to vector<1x512x128xf32>
    %squeeze3A_28 = vector.shape_cast %slice3A_27 : vector<1x512x128xf32> to vector<512x128xf32>
    %mul3A_29 = vector.broadcast %broadcast_in_dim3A_26 : vector<512x1xf32> to vector<512x128xf32>
    %mul3A_30 = arith.mulf %mul3A_29, %squeeze3A_28 : vector<512x128xf32>
    %slice3A_31 = vector.extract_strided_slice %get3A_15 {offsets = [0, 128], sizes = [1, 128], strides = [1, 1]} : vector<1x256xf32> to vector<1x128xf32>
    %add3A_32 = vector.broadcast %slice3A_31 : vector<1x128xf32> to vector<512x128xf32>
    %add3A_33 = arith.addf %mul3A_30, %add3A_32 : vector<512x128xf32>
    %max3A_34 = arith.constant 0.000000e+00 : f32
    %max3A_35 = vector.broadcast %max3A_34 : f32 to vector<512x128xf32>
    %max3A_36 = arith.maximumf %add3A_33, %max3A_35 : vector<512x128xf32>
    %broadcast_in_dim3A_37 = vector.shape_cast %mul3A_12 : vector<512xf32> to vector<1x512xf32>
    %dot_general3A = arith.constant dense<0.000000e+00> : vector<1x128xf32>
    %dot_general3A_38 = tpu.matmul %broadcast_in_dim3A_37, %max3A_25, %dot_general3A {dimension_numbers = #tpu.dot_dimension_numbers<[1], [0], [0], [1], [0, 0, 1, 1], [], []>, transpose_lhs_hint = false} : vector<1x512xf32>, vector<512x128xf32>, vector<1x128xf32> -> vector<1x128xf32>
    %broadcast_in_dim3A_39 = vector.shape_cast %mul3A_12 : vector<512xf32> to vector<1x512xf32>
    %dot_general3A_40 = arith.constant dense<0.000000e+00> : vector<1x128xf32>
    %dot_general3A_41 = tpu.matmul %broadcast_in_dim3A_39, %max3A_36, %dot_general3A_40 {dimension_numbers = #tpu.dot_dimension_numbers<[1], [0], [0], [1], [0, 0, 1, 1], [], []>, transpose_lhs_hint = false} : vector<1x512xf32>, vector<512x128xf32>, vector<1x128xf32> -> vector<1x128xf32>
    %get3A_42 = arith.constant 0 : index
    %get3A_43 = arith.constant 0 : index
    %get3A_44 = vector.load %arg9[%get3A_42, %get3A_43] : memref<1x256xf32, #tpu.memory_space<vmem>>, vector<1x128xf32>
    %add3A_45 = arith.addf %get3A_44, %dot_general3A_38 : vector<1x128xf32>
    %swap3A = arith.constant 0 : index
    %swap3A_46 = arith.constant 0 : index
    %swap3A_47 = vector.load %arg9[%swap3A, %swap3A_46] : memref<1x256xf32, #tpu.memory_space<vmem>>, vector<1x128xf32>
    tpu.vector_store %arg9[%swap3A, %swap3A_46], %add3A_45 {strides = array<i32>} : memref<1x256xf32, #tpu.memory_space<vmem>>, vector<1x128xf32>,
    %get3A_48 = arith.constant 0 : index
    %get3A_49 = arith.constant 128 : index
    %get3A_50 = vector.load %arg9[%get3A_48, %get3A_49] : memref<1x256xf32, #tpu.memory_space<vmem>>, vector<1x128xf32>
    %add3A_51 = arith.addf %get3A_50, %dot_general3A_41 : vector<1x128xf32>
    %swap3A_52 = arith.constant 0 : index
    %swap3A_53 = arith.constant 128 : index
    %swap3A_54 = vector.load %arg9[%swap3A_52, %swap3A_53] : memref<1x256xf32, #tpu.memory_space<vmem>>, vector<1x128xf32>
    tpu.vector_store %arg9[%swap3A_52, %swap3A_53], %add3A_51 {strides = array<i32>} : memref<1x256xf32, #tpu.memory_space<vmem>>, vector<1x128xf32>,
    %eq3A_55 = arith.constant 19 : i32
    %eq3A_56 = arith.cmpi eq, %arg0, %eq3A_55 : i32
    %convert_element_type3A_57 = arith.extui %eq3A_56 : i1 to i32
    %cond3A_58 = arith.constant 0 : i32
    %cond3A_59 = arith.cmpi ne, %convert_element_type3A_57, %cond3A_58 : i32
    scf.if %cond3A_59 {
      %get3A_60 = arith.constant 0 : index
      %get3A_61 = arith.constant 0 : index
      %get3A_62 = vector.load %arg9[%get3A_60, %get3A_61] : memref<1x256xf32, #tpu.memory_space<vmem>>, vector<1x256xf32>
      %get3A_63 = arith.constant 0 : index
      %get3A_64 = arith.constant 0 : index
      %get3A_65 = vector.load %arg6[%get3A_63, %get3A_64] : memref<256x64xf32, #tpu.memory_space<vmem>>, vector<256x64xf32>
      %dot_general3A_66 = arith.constant dense<0.000000e+00> : vector<1x64xf32>
      %dot_general3A_67 = tpu.matmul %get3A_62, %get3A_65, %dot_general3A_66 {dimension_numbers = #tpu.dot_dimension_numbers<[1], [0], [0], [1], [0, 0, 1, 1], [], []>, transpose_lhs_hint = false} : vector<1x256xf32>, vector<256x64xf32>, vector<1x64xf32> -> vector<1x64xf32>
      %div3A = arith.constant 1.000000e+04 : f32
      %div3A_68 = vector.broadcast %div3A : f32 to vector<1x64xf32>
      %div3A_69 = arith.divf %dot_general3A_67, %div3A_68 : vector<1x64xf32>
      %get3A_70 = arith.constant 0 : index
      %get3A_71 = arith.constant 0 : index
      %get3A_72 = vector.load %arg7[%get3A_70, %get3A_71] : memref<1x64xf32, #tpu.memory_space<vmem>>, vector<1x64xf32>
      %add3A_73 = arith.addf %div3A_69, %get3A_72 : vector<1x64xf32>
      %swap3A_74 = arith.constant 0 : index
      %swap3A_75 = arith.constant 0 : index
      %swap3A_76 = vector.load %arg8[%swap3A_74, %swap3A_75] : memref<1x64xf32, #tpu.memory_space<vmem>>, vector<1x64xf32>
      tpu.vector_store %arg8[%swap3A_74, %swap3A_75], %add3A_73 {strides = array<i32>} : memref<1x64xf32, #tpu.memory_space<vmem>>, vector<1x64xf32>,
    } else {
    }
    return
  }
  func.func @transform_0(%arg0: i32) -> (i32, i32, i32) {
    %c0_i32 = arith.constant 0 : i32
    %c0_i32_0 = arith.constant 0 : i32
    %c0_i32_1 = arith.constant 0 : i32
    return %c0_i32, %arg0, %c0_i32_0 : i32, i32, i32
  }
  func.func @transform_1(%arg0: i32) -> i32 {
    %c0_i32 = arith.constant 0 : i32
    return %arg0 : i32
  }
  func.func @transform_2(%arg0: i32) -> i32 {
    %c0_i32 = arith.constant 0 : i32
    return %arg0 : i32
  }
  func.func @transform_3(%arg0: i32) -> (i32, i32, i32) {
    %c0_i32 = arith.constant 0 : i32
    %c0_i32_0 = arith.constant 0 : i32
    %c0_i32_1 = arith.constant 0 : i32
    return %c0_i32, %c0_i32_0, %arg0 : i32, i32, i32
  }
  func.func @transform_4(%arg0: i32) -> (i32, i32) {
    %c0_i32 = arith.constant 0 : i32
    %c0_i32_0 = arith.constant 0 : i32
    %c0_i32_1 = arith.constant 0 : i32
    return %c0_i32, %c0_i32_0 : i32, i32
  }
  func.func @transform_5(%arg0: i32) -> (i32, i32) {
    %c0_i32 = arith.constant 0 : i32
    %c0_i32_0 = arith.constant 0 : i32
    %c0_i32_1 = arith.constant 0 : i32
    return %c0_i32, %c0_i32_0 : i32, i32
  }
  func.func @transform_6(%arg0: i32) -> (i32, i32) {
    %c0_i32 = arith.constant 0 : i32
    %c0_i32_0 = arith.constant 0 : i32
    %c0_i32_1 = arith.constant 0 : i32
    return %c0_i32, %c0_i32_0 : i32, i32
  }
  func.func @transform_7(%arg0: i32) -> (i32, i32) {
    %c0_i32 = arith.constant 0 : i32
    %c0_i32_0 = arith.constant 0 : i32
    %c0_i32_1 = arith.constant 0 : i32
    return %c0_i32, %c0_i32_0 : i32, i32
  }
}

</mosaic_0001>

<sc_bundles>
// kernel: kernel.6.cloned.1.call-start
scs
__scs_entry_jumppad:
0x0: {  	(pc) =	sbr.rel $0x88, $3  }
0x1: {  	(tag) =	ssettag $0x0;
	lr =	simm.s32 $0x1  }
0x2: {  	[smem:$0x3F9B] =	sst lr;
	_ =	strace $0xD0000000  }
0x3: {  	_ = 	snop  }
0x4: {  	_ = 	snop  }
0x5: {  	_ = 	snop  }
0x6: {  	_ = 	snop  }
0x7: {  	_ = 	snop  }
__scs_overlays_trampoline_lowered:
0x8: {  	[smem:$0x3FAA] =	sst s0  }
0x9: {  	[smem:$0x3FAB] =	sst s1  }
0xa: {  	[smem:$0x3FAC] =	sst s2  }
0xb: {  	[smem:$0x3FAD] =	sst s3  }
0xc: {  	[smem:$0x3FAE] =	sst s4  }
0xd: {  	[smem:$0x3FAF] =	sst s5  }
0xe: {  	[smem:$0x3FB0] =	sst s6  }
0xf: {  	[smem:$0x3FB1] =	sst s7  }
0x10: {  	[smem:$0x3FB2] =	sst s8  }
0x11: {  	[smem:$0x3FB3] =	sst s9;
	s0 =	simm.s32 @!p0 $0x0  }
0x12: {  	s1 =	sld [smem:$0x3F99];
	s0 =	simm.s32 @p0 $0x1  }
0x13: {  	[smem:$0x3FB4] =	sst s0;
	s0 =	simm.s32 @!p1 $0x0  }
0x14: {  	s2 =	sld [smem:$0x3F98];
	s0 =	simm.s32 @p1 $0x1  }
0x15: {  	[smem:$0x3FB5] =	sst s0;
	s0 =	simm.s32 @!p2 $0x0  }
0x16: {  	s3 =	sld [smem:$0x3FDB];
	s0 =	simm.s32 @p2 $0x1  }
0x17: {  	s4 =	simm.s32 $0x1BF5;
	[smem:$0x3FB7] =	sst s0  }
0x18: {  	s0 =	sld [smem:$0x3F9A];
	_ =	swait.ge [sflag:s4], $0x0  }
0x19: {  	s7 =	sld [smem:$0x3F9B]  }
0x1a: {  	s8 =	sadd.s32 $0xFFFFE003, lr  }
0x1b: {  	s9 =	sadd.s32 $0xFFFFFEF7, lr;
	s5 =	simm.s32 $0xFFFFFFFF;
	p2 =	slt.u32 s8, $0xFFFFF086  }
0x1c: {  	p1 =	slt.u32 s9, $0xF7A;
	s5 =	simm.s32 @!p2 $0x0  }
0x1d: {  	s5 =	simm.s32 @p1 $0x1;
	p0 =	seq.s32 s7, s2  }
0x1e: {  	s7 =	smul.u32 @!p0 $0xF7A, s2;
	p2 =	seq.s32 @!p0 s5, $0x0  }
0x1f: {  	s9 =	smul.u32 $0xF7A, s1;
	s8 =	simm.s32 @!p0 $0x1BF5;
	p2 =	por !p2, p0  }
0x20: {  	[sflag:s8] =	ssyncset.s32 @!p0 $0xFFFFF086;
	s6 =	sadd.s32 @!p0 s3, s7;
	s7 =	simm.s32 @!p0 $0x108  }
0x21: {  	s3 =	sadd.s32 s3, s9;
	s6 =	sadd.s32 @!p0 $0x88, s6;
	s7 =	simm.s32 @p2 $0x1082  }
0x22: {  	[simem:s7], [sflag:s8] =	dma.local @!p0 [hbm:s6], $0xF7A  }
0x23: {  	s9 =	sor.u32 $0xD0000000, s2;
	s6 =	simm.s32 $0x108;
	_ =	swait.ge @!p0 [sflag:s8], $0x0  }
0x24: {  	s3 =	sadd.s32 $0x88, s3;
	s6 =	simm.s32 @!p1 $0x1082;
	[sflag:s4] =	ssyncset.s32 $0xFFFFF086  }
0x25: {  	[simem:s6], [sflag:s4] =	dma.local [hbm:s3], $0xF7A  }
0x26: {  	[smem:$0x3F9B] =	sst s1;
	(tag) =	ssettag s2;
	_ =	strace s9  }
0x27: {  	s1 =	sld [smem:$0x3FAB]  }
0x28: {  	s2 =	sld [smem:$0x3FAC]  }
0x29: {  	s4 =	sld [smem:$0x3FAE]  }
0x2a: {  	p0 =	seq.s32 s5, $0x0;
	s5 =	sld [smem:$0x3FAF]  }
0x2b: {  	s6 =	sld [smem:$0x3FB0]  }
0x2c: {  	s7 =	sld [smem:$0x3FB1]  }
0x2d: {  	s3 =	simm.s32 $0x108;
	s8 =	sld [smem:$0x3FB2]  }
0x2e: {  	s3 =	simm.s32 @!p0 $0x1082;
	s9 =	sld [smem:$0x3FB3]  }
0x2f: {  	lr =	sadd.s32 s0, s3;
	s0 =	sld [smem:$0x3FAA]  }
0x30: {  	s3 =	sld [smem:$0x3FAD]  }
0x31: {  	[smem:$0x3FB6] =	sst s10  }
0x32: {  	s10 =	sld [smem:$0x3FB4];
	_ =	sdelay $0x3  }
0x33: {  	p0 =	seq.s32 s10, $0x1;
	s10 =	sld [smem:$0x3FB6];
	_ =	sdelay $0x3  }
0x34: {  	[smem:$0x3FB6] =	sst s10  }
0x35: {  	s10 =	sld [smem:$0x3FB5];
	_ =	sdelay $0x3  }
0x36: {  	p1 =	seq.s32 s10, $0x1;
	s10 =	sld [smem:$0x3FB6];
	_ =	sdelay $0x3  }
0x37: {  	[smem:$0x3FB6] =	sst s10  }
0x38: {  	s10 =	sld [smem:$0x3FB7]  }
0x39: {  	_ = 	snop;
	(pc) =	sbr.ind lr, $3  }
0x3a: {  	_ = 	snop  }
0x3b: {  	_ = 	snop  }
0x3c: {  	p2 =	seq.s32 s10, $0x1;
	s10 =	sld [smem:$0x3FB6]  }
0x3d: {  	_ =	shalt  }
0x3e: {  	_ =	shalt  }
0x3f: {  	_ =	shalt  }
0x40: {  	_ =	shalt  }
0x41: {  	_ =	shalt  }
0x42: {  	_ =	shalt  }
0x43: {  	_ =	shalt  }
0x44: {  	_ =	shalt  }
0x45: {  	_ =	shalt  }
0x46: {  	_ =	shalt  }
0x47: {  	_ =	shalt  }
0x48: {  	_ =	shalt  }
0x49: {  	_ =	shalt  }
0x4a: {  	_ =	shalt  }
0x4b: {  	_ =	shalt  }
0x4c: {  	_ =	shalt  }
0x4d: {  	_ =	shalt  }
0x4e: {  	_ =	shalt  }
0x4f: {  	_ =	shalt  }
0x50: {  	_ =	shalt  }
0x51: {  	_ =	shalt  }
0x52: {  	_ =	shalt  }
0x53: {  	_ =	shalt  }
0x54: {  	_ =	shalt  }
0x55: {  	_ =	shalt  }
0x56: {  	_ =	shalt  }
0x57: {  	_ =	shalt  }
0x58: {  	_ =	shalt  }
0x59: {  	_ =	shalt  }
0x5a: {  	_ =	shalt  }
0x5b: {  	_ =	shalt  }
0x5c: {  	_ =	shalt  }
0x5d: {  	_ =	shalt  }
0x5e: {  	_ =	shalt  }
0x5f: {  	_ =	shalt  }
0x60: {  	_ =	shalt  }
0x61: {  	_ =	shalt  }
0x62: {  	_ =	shalt  }
0x63: {  	_ =	shalt  }
0x64: {  	_ =	shalt  }
0x65: {  	_ =	shalt  }
0x66: {  	_ =	shalt  }
0x67: {  	_ =	shalt  }
0x68: {  	_ =	shalt  }
0x69: {  	_ =	shalt  }
0x6a: {  	_ =	shalt  }
0x6b: {  	_ =	shalt  }
0x6c: {  	_ =	shalt  }
0x6d: {  	_ =	shalt  }
0x6e: {  	_ =	shalt  }
0x6f: {  	_ =	shalt  }
0x70: {  	_ =	shalt  }
0x71: {  	_ =	shalt  }
0x72: {  	_ =	shalt  }
0x73: {  	_ =	shalt  }
0x74: {  	_ =	shalt  }
0x75: {  	_ =	shalt  }
0x76: {  	_ =	shalt  }
0x77: {  	_ =	shalt  }
0x78: {  	_ =	shalt  }
0x79: {  	_ =	shalt  }
0x7a: {  	_ =	shalt  }
0x7b: {  	_ =	shalt  }
0x7c: {  	_ =	shalt  }
0x7d: {  	_ =	shalt  }
0x7e: {  	_ =	shalt  }
0x7f: {  	_ =	shalt  }
0x80: {  	_ =	shalt  }
0x81: {  	_ =	shalt  }
0x82: {  	_ =	shalt  }
0x83: {  	_ =	shalt  }
0x84: {  	_ =	shalt  }
0x85: {  	_ =	shalt  }
0x86: {  	_ =	shalt  }
0x87: {  	_ =	shalt  }
.Lfunc_end0:
.L_simem_size_0:
called_computation_lowered:
.L_overlay_start_0:
0x88: {  	s2 =	sld [smem:$0x3FD9]  }
0x89: {  	s3 =	sld [smem:$0x3FFE];
	_ =	sdelay $0x1  }
0x8a: {  	s1 =	srdreg.scid  }
0x8b: {  	s0 =	sand.u32 $0x1, s1  }
0x8c: {  	s16 =	sshll.u32 s0, $0xA;
	s2 =	sadd.s32 s3, s2  }
0x8d: {  	s2 =	sadd.s32 s2, s16  }
0x8e: {  	[smem:$0x3FC2] =	sst s2  }
0x8f: {  	_ = 	snop  }
0x90: {  	(tm) =	ssettm $0x1  }
0x91: {  	s17 =	sld [smem:$0x3FFB];
	_ =	sdelay $0x3  }
0x92: {  	_ =	strace s17  }
0x93: {  	s2 =	sld [smem:$0x3FFC];
	_ =	sdelay $0x3  }
0x94: {  	_ =	strace s2  }
0x95: {  	s2 =	sld [smem:$0x3FFD];
	_ =	sdelay $0x3  }
0x96: {  	_ =	strace s2  }
0x97: {  	_ =	strace $0x8FFFFFFF  }
0x98: {  	s18 =	sld [smem:$0x3FDB];
	_ =	sdelay $0x1  }
0x99: {  	s19 =	simm.s32 $_scs_section_size  }
0x9a: {  	s4 =	simm.s32 $_size__tile_overlayer_lowered;
	s5 =	simm.s32 $_tile_overlayer_lowered  }
0x9b: {  	s22 =	simm.s32 $0x1BFF;
	s21 =	sshll.u32 s5, $0x1;
	s2 =	sadd.s32 s19, s18  }
0x9c: {  	s6 =	simm.s32 $0x0;
	s20 =	sshll.u32 s4, $0x1;
	s4 =	sadd.s32 s21, s2  }
0x9d: {  	[timem:s6], [sflag:s22] =	dma.local [hbm:s4], s20  }
0x9e: {  	_ =	swait.ge [sflag:s22], s20  }
0x9f: {  	s3 =	ssub.s32 $0x0, s20;
	[sflag:s22] =	ssyncset.done $0x0  }
0xa0: {  	[sflag:s22] =	ssyncadd.s32 s3;
	_ =	sdelay $0x1  }
0xa1: {  	s23 =	simm.s32 $0x1B8B  }
0xa2: {  	_ =	swait.ge [sflag:s23], $0x1  }
0xa3: {  	[sflag:s23] =	ssyncset.done $0x0  }
0xa4: {  	s25 =	simm.s32 $0x1B8E;
	s24 =	sld [smem:$0x3FFE];
	[sflag:s23] =	ssyncadd.s32 $0xFFFFFFFF  }
0xa5: {  	s26 =	simm.s32 $execute0_lowered;
	[smem:$0x3FD2] =	sst s25  }
0xa6: {  	s4 =	sshll.u32 s26, $0x1;
	_ =	strace $0x80000046;
	[dreg:$0x1] =	wrdreg $0xFFFFFFFF  }
0xa7: {  	s28 =	simm.s32 $_size_execute0_lowered;
	s2 =	sadd.s32 s2, s4;
	[dreg:$0x0] =	wrdreg $0x0  }
0xa8: {  	s4 =	sshll.u32 s28, $0x1;
	[dreg:$0x2] =	wrdreg s2  }
0xa9: {  	[dreg:$0x3] =	wrdreg s4  }
0xaa: {  	[dreg:$0x4] =	wrdreg $0xC0  }
0xab: {  	_ =	task [dreg:s6], $0x5FFFF  }
0xac: {  	[dreg:$0x1] =	wrdreg $0xFFFFFFFF  }
0xad: {  	[dreg:$0x0] =	wrdreg $0x60  }
0xae: {  	[dreg:$0x2] =	wrdreg s24  }
0xaf: {  	[dreg:$0x3] =	wrdreg $0x9  }
0xb0: {  	_ =	task.clear_ibuf [dreg:s6], $0x4FFFF;
	_ =	strace $0x90000046  }
0xb1: {  	s29 =	simm.s32 $0x9;
	_ =	strace $0x80000048  }
0xb2: {  	_ =	swait.ge [sflag:s29], $0x1  }
0xb3: {  	[sflag:s29] =	ssyncadd.s32 $0xFFFFFFFF  }
0xb4: {  	_ =	strace $0x90000048  }
0xb5: {  	_ =	sfence  }
0xb6: {  	s30 =	sld [smem:$0x0];
	_ =	sdelay $0x2  }
0xb7: {  	s31 =	sshll.u32 s1, $0xD;
	s1 =	sshrl.u32 s1, $0x2  }
0xb8: {  	s3 =	sand.u32 $0x4000, s31;
	s1 =	sadd.s32 s1, s30  }
0xb9: {  	s0 =	sor.u32 s3, s0;
	s1 =	sshll.u32 s1, $0x11  }
0xba: {  	s0 =	sor.u32 s1, s0  }
0xbb: {  	s0 =	sadd.s32 $0x8F2B, s0  }
0xbc: {  	[sflag:s0] =	ssyncadd.remote.s32 $0x1  }
0xbd: {  	_ =	sfence.sel $0xFFFF  }
0xbe: {  	[dreg:$0x0] =	wrdreg $0xFFFFFFFF;
	(pc) =	sbr.abs _section_cstart, $3  }
0xbf: {  	[dreg:$0x1] =	wrdreg $0xFFFFFFFF  }
0xc0: {  	_ =	task.clear_ibuf [dreg:s6], $0x2FFFF;
	_ =	strace $0x9FFFFFFF  }
0xc1: {  	(tm) =	ssettm $0x7FFFFFFF  }
tec
execute0_lowered:
.L_overlay_start_1:
0x0: {  	(tag) =	ssettag $0x1  }
0x1: {  	s1 =	srdreg.scid  }
0x2: {  	s0 =	stileid.u32;
	s5 =	rddreg [dreg:$0x0]  }
0x3: {  	s8 =	simm.s32 $0x1C00;
	s3 =	sand.u32 $0x1, s1;
	s31 =	smul.u32 $0x4E2, s0  }
0x4: {  	s9 =	simm.s32 $0x400;
	s2 =	sshrl.u32 s0, $0x3;
	s1 =	smul.u32 $0x28000, s3  }
0x5: {  	s10 =	simm.s32 $0x0;
	s4 =	sshll.u32 s0, $0x7;
	s2 =	smul.u32 $0x14000, s2  }
0x6: {  	s4 =	sand.u32 $0x380, s4;
	s30 =	ssub.s32 $0x2, s3;
	p0 =	seq.s32 s3, $0x1  }
0x7: {  	s7 =	sshrl.u32 s30, $0x1;
	s8 =	simm.s32 @!p0 $0x6C00;
	s6 =	sadd.s32 s1, s2  }
0x8: {  	s1 =	rddreg [dreg:$0x1];
	s2 =	simm.s32 $0x0;
	s4 =	sor.u32 s4, s6  }
0x9: {  	[smem:$0x7FF] =	sst s2;
	s6 =	ssub.s32 s30, s7;
	s4 =	sshrl.u32 s4, $0x3  }
0xa: {  	s7 =	simm.s32 $0x2780;
	_ =	strace $0x80000047;
	s4 =	sadd.s32 s4, s5  }
0xb: {  	s5 =	sadd.s32 s8, s5;
	s8 =	simm.s32 $0x80;
	s3 =	sadd.s32 $0xBC00, s4  }
0xc: {  	v0 =	vimm.f32 $0.0e+00;
	v1 =	vimm.f32 $1.000000000e+00;
	s4 =	smax.u32 s6, $0x1;
	s5 =	sadd.s32 s5, s31;
	s6 =	simm.s32 $0x1  }
.LBB2_1:
0xd: {  	[tilespmem:s2], [sflag:$0x1] =	stream.linear.gather [hbm4b:s5+s2], $0x2710, $0x38;
	[tilespmem:$0x4F80] =	vst v63  }
0xe: {  	_ =	swait.ge [sflag:s6], $0x2710  }
0xf: {  	[sflag:s6] =	ssyncset.done $0x0  }
0x10: {  	s11 =	simm.s32 $0x0;
	[sflag:s6] =	ssyncadd.s32 $0xFFFFD8F0  }
.LBB2_2:
0x11: {  	p0 =	sne.s32 s11, $0x9FC0  }
.Ltmp0:
0x12: {  	_ = 	snop;
	(pc) =	sbr.rel @p0 .LBB2_2-.Ltmp0, $3  }
0x13: {  	_ =	sdelay $0x1  }
0x14: {  	s12 =	sshra.s32 s11, $0x2  }
0x15: {  	s11 =	sadd.s32 $0x40, s11;
	[tilespmem:s12+$0x2780] =	vst v0  }
0x16: {  	s12 =	simm.s32 $0x0;
	s11 =	simm.s32 $0x40  }
.LBB2_4:
0x17: {  	p0 =	sne.s32 s11, $0x9C00;
	v2 =	vld [tilespmem:s12+$0x0];
	_ =	sdelay $0x3  }
.Ltmp1:
0x18: {  	(pc) =	sbr.rel @p0 .LBB2_4-.Ltmp1, $2  }
0x19: {  	_ =	sdelay $0x2  }
0x1a: {  	s12 =	sshra.s32 s11, $0x2;
	s11 =	sadd.s32 $0x40, s11;
	[tilespmem:v2+s7+$0x0] =	vst.idx.add.f32.msk $0xffff, v1  }
0x1b: {  	v2 =	vld [tilespmem:s12+$0x0];
	_ =	sdelay $0x5  }
0x1c: {  	s10 =	sadd.s32 $0x1, s10  }
0x1d: {  	p0 =	sne.s32 s10, s4  }
.Ltmp2:
0x1e: {  	[tilespmem:v2+s7+$0x0] =	vst.idx.add.f32.msk $0xffff, v1;
	(pc) =	sbr.rel @p0 .LBB2_1-.Ltmp2, $4  }
0x1f: {  	[hbm4b:s3+s8] =	stream.strided.scatter [tilespmem:s7], [sflag:$0x1], $0x2800, s9, s8, $0x38;
	[tilespmem:$0x4F80] =	vst v63  }
0x20: {  	_ =	swait.ge [sflag:s6], $0x2800  }
0x21: {  	[sflag:s6] =	ssyncset.done $0x0  }
0x22: {  	[sflag:s6] =	ssyncadd.s32 $0xFFFFD800  }
0x23: {  	_ =	sfence.sel $0x180000  }
0x24: {  	[bflag:$0x0] =	sbarrier.arrive $0xFFFF  }
0x25: {  	p0 =	sne.s32 s0, $0x0;
	_ =	strace $0x90000047  }
0x26: {  	s0 =	sadd.s32 @!p0 $0x100000, s1;
	[bflag:$0x2] =	sbarrier.arrive $0xFFFF  }
0x27: {  	[sflag:s0] =	ssyncadd.tile.s32 @!p0 $0x1;
	_ =	shalt  }
.Lfunc_end2:
_tile_overlayer_lowered:
.L_overlay_start_2:
0x28: {  	(tag) =	ssettag $0x2  }
0x29: {  	s0 =	rddreg [dreg:$0x0];
	s2 =	stileid.u32  }
0x2a: {  	s1 =	rddreg [dreg:$0x1];
	p0 =	sne.s32 s2, $0x0  }
0x2b: {  	s3 =	rddreg [dreg:$0x2];
	[bflag:$0x3] =	sbarrier.arrive $0xFFFF;
	s2 =	simm.s32 @!p0 $0x1C01  }
0x2c: {  	[timem:s3], [sflag:s2] =	dma.local @!p0 [hbm:s0], s1  }
0x2d: {  	s0 =	simm.s32 @!p0 $0x1  }
0x2e: {  	_ =	swait.ge @!p0 [sflag:s0], s1  }
0x2f: {  	s1 =	ssub.s32 @!p0 $0x0, s1;
	[sflag:s0] =	ssyncset.done @!p0 $0x0  }
0x30: {  	[sflag:s0] =	ssyncadd.s32 @!p0 s1  }
0x31: {  	[bflag:$0x3] =	sbarrier.arrive $0xFFFF  }
0x32: {  	_ =	shalt  }

// kernel: kernel.9.cloned.1.call-start
scs
__scs_entry_jumppad:
0x0: {  	(pc) =	sbr.rel $0x88, $3  }
0x1: {  	(tag) =	ssettag $0x0;
	lr =	simm.s32 $0x1  }
0x2: {  	[smem:$0x3F9B] =	sst lr;
	_ =	strace $0xD0000000  }
0x3: {  	_ = 	snop  }
0x4: {  	_ = 	snop  }
0x5: {  	_ = 	snop  }
0x6: {  	_ = 	snop  }
0x7: {  	_ = 	snop  }
__scs_overlays_trampoline_lowered:
0x8: {  	[smem:$0x3FAA] =	sst s0  }
0x9: {  	[smem:$0x3FAB] =	sst s1  }
0xa: {  	[smem:$0x3FAC] =	sst s2  }
0xb: {  	[smem:$0x3FAD] =	sst s3  }
0xc: {  	[smem:$0x3FAE] =	sst s4  }
0xd: {  	[smem:$0x3FAF] =	sst s5  }
0xe: {  	[smem:$0x3FB0] =	sst s6  }
0xf: {  	[smem:$0x3FB1] =	sst s7  }
0x10: {  	[smem:$0x3FB2] =	sst s8  }
0x11: {  	[smem:$0x3FB3] =	sst s9;
	s0 =	simm.s32 @!p0 $0x0  }
0x12: {  	s1 =	sld [smem:$0x3F99];
	s0 =	simm.s32 @p0 $0x1  }
0x13: {  	[smem:$0x3FB4] =	sst s0;
	s0 =	simm.s32 @!p1 $0x0  }
0x14: {  	s2 =	sld [smem:$0x3F98];
	s0 =	simm.s32 @p1 $0x1  }
0x15: {  	[smem:$0x3FB5] =	sst s0;
	s0 =	simm.s32 @!p2 $0x0  }
0x16: {  	s3 =	sld [smem:$0x3FDB];
	s0 =	simm.s32 @p2 $0x1  }
0x17: {  	s4 =	simm.s32 $0x1BF5;
	[smem:$0x3FB7] =	sst s0  }
0x18: {  	s0 =	sld [smem:$0x3F9A];
	_ =	swait.ge [sflag:s4], $0x0  }
0x19: {  	s7 =	sld [smem:$0x3F9B]  }
0x1a: {  	s8 =	sadd.s32 $0xFFFFE003, lr  }
0x1b: {  	s9 =	sadd.s32 $0xFFFFFEF7, lr;
	s5 =	simm.s32 $0xFFFFFFFF;
	p2 =	slt.u32 s8, $0xFFFFF086  }
0x1c: {  	p1 =	slt.u32 s9, $0xF7A;
	s5 =	simm.s32 @!p2 $0x0  }
0x1d: {  	s5 =	simm.s32 @p1 $0x1;
	p0 =	seq.s32 s7, s2  }
0x1e: {  	s7 =	smul.u32 @!p0 $0xF7A, s2;
	p2 =	seq.s32 @!p0 s5, $0x0  }
0x1f: {  	s9 =	smul.u32 $0xF7A, s1;
	s8 =	simm.s32 @!p0 $0x1BF5;
	p2 =	por !p2, p0  }
0x20: {  	[sflag:s8] =	ssyncset.s32 @!p0 $0xFFFFF086;
	s6 =	sadd.s32 @!p0 s3, s7;
	s7 =	simm.s32 @!p0 $0x108  }
0x21: {  	s3 =	sadd.s32 s3, s9;
	s6 =	sadd.s32 @!p0 $0x88, s6;
	s7 =	simm.s32 @p2 $0x1082  }
0x22: {  	[simem:s7], [sflag:s8] =	dma.local @!p0 [hbm:s6], $0xF7A  }
0x23: {  	s9 =	sor.u32 $0xD0000000, s2;
	s6 =	simm.s32 $0x108;
	_ =	swait.ge @!p0 [sflag:s8], $0x0  }
0x24: {  	s3 =	sadd.s32 $0x88, s3;
	s6 =	simm.s32 @!p1 $0x1082;
	[sflag:s4] =	ssyncset.s32 $0xFFFFF086  }
0x25: {  	[simem:s6], [sflag:s4] =	dma.local [hbm:s3], $0xF7A  }
0x26: {  	[smem:$0x3F9B] =	sst s1;
	(tag) =	ssettag s2;
	_ =	strace s9  }
0x27: {  	s1 =	sld [smem:$0x3FAB]  }
0x28: {  	s2 =	sld [smem:$0x3FAC]  }
0x29: {  	s4 =	sld [smem:$0x3FAE]  }
0x2a: {  	p0 =	seq.s32 s5, $0x0;
	s5 =	sld [smem:$0x3FAF]  }
0x2b: {  	s6 =	sld [smem:$0x3FB0]  }
0x2c: {  	s7 =	sld [smem:$0x3FB1]  }
0x2d: {  	s3 =	simm.s32 $0x108;
	s8 =	sld [smem:$0x3FB2]  }
0x2e: {  	s3 =	simm.s32 @!p0 $0x1082;
	s9 =	sld [smem:$0x3FB3]  }
0x2f: {  	lr =	sadd.s32 s0, s3;
	s0 =	sld [smem:$0x3FAA]  }
0x30: {  	s3 =	sld [smem:$0x3FAD]  }
0x31: {  	[smem:$0x3FB6] =	sst s10  }
0x32: {  	s10 =	sld [smem:$0x3FB4];
	_ =	sdelay $0x3  }
0x33: {  	p0 =	seq.s32 s10, $0x1;
	s10 =	sld [smem:$0x3FB6];
	_ =	sdelay $0x3  }
0x34: {  	[smem:$0x3FB6] =	sst s10  }
0x35: {  	s10 =	sld [smem:$0x3FB5];
	_ =	sdelay $0x3  }
0x36: {  	p1 =	seq.s32 s10, $0x1;
	s10 =	sld [smem:$0x3FB6];
	_ =	sdelay $0x3  }
0x37: {  	[smem:$0x3FB6] =	sst s10  }
0x38: {  	s10 =	sld [smem:$0x3FB7]  }
0x39: {  	_ = 	snop;
	(pc) =	sbr.ind lr, $3  }
0x3a: {  	_ = 	snop  }
0x3b: {  	_ = 	snop  }
0x3c: {  	p2 =	seq.s32 s10, $0x1;
	s10 =	sld [smem:$0x3FB6]  }
0x3d: {  	_ =	shalt  }
0x3e: {  	_ =	shalt  }
0x3f: {  	_ =	shalt  }
0x40: {  	_ =	shalt  }
0x41: {  	_ =	shalt  }
0x42: {  	_ =	shalt  }
0x43: {  	_ =	shalt  }
0x44: {  	_ =	shalt  }
0x45: {  	_ =	shalt  }
0x46: {  	_ =	shalt  }
0x47: {  	_ =	shalt  }
0x48: {  	_ =	shalt  }
0x49: {  	_ =	shalt  }
0x4a: {  	_ =	shalt  }
0x4b: {  	_ =	shalt  }
0x4c: {  	_ =	shalt  }
0x4d: {  	_ =	shalt  }
0x4e: {  	_ =	shalt  }
0x4f: {  	_ =	shalt  }
0x50: {  	_ =	shalt  }
0x51: {  	_ =	shalt  }
0x52: {  	_ =	shalt  }
0x53: {  	_ =	shalt  }
0x54: {  	_ =	shalt  }
0x55: {  	_ =	shalt  }
0x56: {  	_ =	shalt  }
0x57: {  	_ =	shalt  }
0x58: {  	_ =	shalt  }
0x59: {  	_ =	shalt  }
0x5a: {  	_ =	shalt  }
0x5b: {  	_ =	shalt  }
0x5c: {  	_ =	shalt  }
0x5d: {  	_ =	shalt  }
0x5e: {  	_ =	shalt  }
0x5f: {  	_ =	shalt  }
0x60: {  	_ =	shalt  }
0x61: {  	_ =	shalt  }
0x62: {  	_ =	shalt  }
0x63: {  	_ =	shalt  }
0x64: {  	_ =	shalt  }
0x65: {  	_ =	shalt  }
0x66: {  	_ =	shalt  }
0x67: {  	_ =	shalt  }
0x68: {  	_ =	shalt  }
0x69: {  	_ =	shalt  }
0x6a: {  	_ =	shalt  }
0x6b: {  	_ =	shalt  }
0x6c: {  	_ =	shalt  }
0x6d: {  	_ =	shalt  }
0x6e: {  	_ =	shalt  }
0x6f: {  	_ =	shalt  }
0x70: {  	_ =	shalt  }
0x71: {  	_ =	shalt  }
0x72: {  	_ =	shalt  }
0x73: {  	_ =	shalt  }
0x74: {  	_ =	shalt  }
0x75: {  	_ =	shalt  }
0x76: {  	_ =	shalt  }
0x77: {  	_ =	shalt  }
0x78: {  	_ =	shalt  }
0x79: {  	_ =	shalt  }
0x7a: {  	_ =	shalt  }
0x7b: {  	_ =	shalt  }
0x7c: {  	_ =	shalt  }
0x7d: {  	_ =	shalt  }
0x7e: {  	_ =	shalt  }
0x7f: {  	_ =	shalt  }
0x80: {  	_ =	shalt  }
0x81: {  	_ =	shalt  }
0x82: {  	_ =	shalt  }
0x83: {  	_ =	shalt  }
0x84: {  	_ =	shalt  }
0x85: {  	_ =	shalt  }
0x86: {  	_ =	shalt  }
0x87: {  	_ =	shalt  }
.Lfunc_end0:
.L_simem_size_0:
called_computation.1_lowered:
.L_overlay_start_0:
0x88: {  	s2 =	sld [smem:$0x3FD9]  }
0x89: {  	s3 =	sld [smem:$0x3FFE];
	_ =	sdelay $0x1  }
0x8a: {  	s1 =	srdreg.scid  }
0x8b: {  	s0 =	sand.u32 $0x1, s1  }
0x8c: {  	s16 =	sshll.u32 s0, $0xA;
	s2 =	sadd.s32 s3, s2  }
0x8d: {  	s2 =	sadd.s32 s2, s16  }
0x8e: {  	[smem:$0x3FC2] =	sst s2  }
0x8f: {  	_ = 	snop  }
0x90: {  	(tm) =	ssettm $0x1  }
0x91: {  	s17 =	sld [smem:$0x3FFB];
	_ =	sdelay $0x3  }
0x92: {  	_ =	strace s17  }
0x93: {  	s2 =	sld [smem:$0x3FFC];
	_ =	sdelay $0x3  }
0x94: {  	_ =	strace s2  }
0x95: {  	s2 =	sld [smem:$0x3FFD];
	_ =	sdelay $0x3  }
0x96: {  	_ =	strace s2  }
0x97: {  	_ =	strace $0x8FFFFFFF  }
0x98: {  	s18 =	sld [smem:$0x3FDB];
	_ =	sdelay $0x1  }
0x99: {  	s19 =	simm.s32 $_scs_section_size  }
0x9a: {  	s4 =	simm.s32 $_size__tile_overlayer_lowered;
	s5 =	simm.s32 $_tile_overlayer_lowered  }
0x9b: {  	s22 =	simm.s32 $0x1BFF;
	s21 =	sshll.u32 s5, $0x1;
	s2 =	sadd.s32 s19, s18  }
0x9c: {  	s6 =	simm.s32 $0x0;
	s20 =	sshll.u32 s4, $0x1;
	s4 =	sadd.s32 s21, s2  }
0x9d: {  	[timem:s6], [sflag:s22] =	dma.local [hbm:s4], s20  }
0x9e: {  	_ =	swait.ge [sflag:s22], s20  }
0x9f: {  	s3 =	ssub.s32 $0x0, s20;
	[sflag:s22] =	ssyncset.done $0x0  }
0xa0: {  	[sflag:s22] =	ssyncadd.s32 s3;
	_ =	sdelay $0x1  }
0xa1: {  	s23 =	simm.s32 $0x1B8B  }
0xa2: {  	_ =	swait.ge [sflag:s23], $0x1  }
0xa3: {  	[sflag:s23] =	ssyncset.done $0x0  }
0xa4: {  	s25 =	simm.s32 $0x1B8E;
	s24 =	sld [smem:$0x3FFE];
	[sflag:s23] =	ssyncadd.s32 $0xFFFFFFFF  }
0xa5: {  	s26 =	simm.s32 $execute0_lowered;
	[smem:$0x3FD2] =	sst s25  }
0xa6: {  	s4 =	sshll.u32 s26, $0x1;
	_ =	strace $0x80000049;
	[dreg:$0x1] =	wrdreg $0xFFFFFFFF  }
0xa7: {  	s28 =	simm.s32 $_size_execute0_lowered;
	s2 =	sadd.s32 s2, s4;
	[dreg:$0x0] =	wrdreg $0x0  }
0xa8: {  	s4 =	sshll.u32 s28, $0x1;
	[dreg:$0x2] =	wrdreg s2  }
0xa9: {  	[dreg:$0x3] =	wrdreg s4  }
0xaa: {  	[dreg:$0x4] =	wrdreg $0xC0  }
0xab: {  	_ =	task [dreg:s6], $0x5FFFF  }
0xac: {  	[dreg:$0x1] =	wrdreg $0xFFFFFFFF  }
0xad: {  	[dreg:$0x0] =	wrdreg $0x60  }
0xae: {  	[dreg:$0x2] =	wrdreg s24  }
0xaf: {  	[dreg:$0x3] =	wrdreg $0xAF000  }
0xb0: {  	[dreg:$0x4] =	wrdreg $0x9  }
0xb1: {  	_ =	task.clear_ibuf [dreg:s6], $0x5FFFF;
	_ =	strace $0x90000049  }
0xb2: {  	s29 =	simm.s32 $0x9;
	_ =	strace $0x8000004B  }
0xb3: {  	_ =	swait.ge [sflag:s29], $0x1  }
0xb4: {  	[sflag:s29] =	ssyncadd.s32 $0xFFFFFFFF  }
0xb5: {  	_ =	strace $0x9000004B  }
0xb6: {  	_ =	sfence  }
0xb7: {  	s30 =	sld [smem:$0x0];
	_ =	sdelay $0x2  }
0xb8: {  	s31 =	sshll.u32 s1, $0xD;
	s1 =	sshrl.u32 s1, $0x2  }
0xb9: {  	s3 =	sand.u32 $0x4000, s31;
	s1 =	sadd.s32 s1, s30  }
0xba: {  	s0 =	sor.u32 s3, s0;
	s1 =	sshll.u32 s1, $0x11  }
0xbb: {  	s0 =	sor.u32 s1, s0  }
0xbc: {  	s0 =	sadd.s32 $0x8F2B, s0  }
0xbd: {  	[sflag:s0] =	ssyncadd.remote.s32 $0x1  }
0xbe: {  	_ =	sfence.sel $0xFFFF  }
0xbf: {  	[dreg:$0x0] =	wrdreg $0xFFFFFFFF;
	(pc) =	sbr.abs _section_cstart, $3  }
0xc0: {  	[dreg:$0x1] =	wrdreg $0xFFFFFFFF  }
0xc1: {  	_ =	task.clear_ibuf [dreg:s6], $0x2FFFF;
	_ =	strace $0x9FFFFFFF  }
0xc2: {  	(tm) =	ssettm $0x7FFFFFFF  }
0xc3: {  	_ =	shalt  }
tec
execute0_lowered:
.L_overlay_start_1:
0x0: {  	(tag) =	ssettag $0x1  }
0x1: {  	s0 =	rddreg [dreg:$0x0]  }
0x2: {  	s1 =	rddreg [dreg:$0x1]  }
0x3: {  	s3 =	simm.s32 $0x0;
	s2 =	srdreg.scid;
	s13 =	stileid.u32  }
0x4: {  	s15 =	simm.s32 $0x5F00;
	s16 =	simm.s32 $0x5;
	s28 =	simm.s32 $0x3  }
0x5: {  	s29 =	simm.s32 $0x2;
	s30 =	simm.s32 $0xE80;
	s31 =	simm.s32 $0x4  }
0x6: {  	[smem:$0x7FF] =	sst s3;
	s2 =	sand.u32 $0x1, s2;
	s4 =	sadd.s32 $0xBC00, s0  }
0x7: {  	s8 =	smul.u32 $0x14000, s13;
	s6 =	sadd.s32 $0x5BC00, s0;
	s10 =	sshrl.u32 s13, $0x3  }
0x8: {  	s7 =	sadd.s32 $0x1C00, s0;
	s11 =	sadd.s32 $0x5C200, s0;
	s12 =	smul.u32 $0x50000, s13  }
0x9: {  	s19 =	sshll.u32 s13, $0x7;
	s26 =	sshll.u32 s13, $0x6;
	s5 =	smul.u32 $0x140000, s2  }
0xa: {  	_ =	strace $0x8000004A;
	[dreg:$0x3] =	wrdreg s6;
	s9 =	smul.u32 $0x28000, s2  }
0xb: {  	s6 =	sadd.s32 $0x6C00, s0;
	s10 =	smul.u32 $0x14000, s10;
	[dreg:$0x4] =	wrdreg s11  }
0xc: {  	s20 =	ssub.s32 $0x2, s2;
	s2 =	smul.u32 $0x2800, s2;
	s17 =	sor.u32 $0x1C05, s26  }
0xd: {  	s26 =	simm.s32 $0xE00;
	s21 =	sshrl.u32 s20, $0x1;
	s23 =	sshrl.u32 s12, $0x2  }
0xe: {  	s5 =	sadd.s32 s8, s5;
	s9 =	sadd.s32 s9, s10;
	s8 =	sand.u32 $0x380, s19  }
0xf: {  	s22 =	ssub.s32 s20, s21;
	s10 =	sadd.s32 s23, s1;
	s20 =	simm.s32 $0x8700  }
0x10: {  	s21 =	simm.s32 $0x50;
	s23 =	simm.s32 $0xF00;
	v0 =	vmov s2;
	s2 =	simm.s32 $0x0  }
0x11: {  	s5 =	sshrl.u32 s5, $0x3;
	s8 =	sor.u32 s8, s9;
	s9 =	smul.u32 $0x2710, s13  }
0x12: {  	s14 =	smax.u32 s22, $0x1;
	s18 =	sshrl.u32 s10, $0x3;
	s5 =	sadd.s32 s5, s0  }
0x13: {  	s22 =	simm.s32 $0xD00;
	s24 =	sshrl.u32 s9, $0x3;
	s5 =	sadd.s32 $0x5EA00, s5  }
0x14: {  	s8 =	sshrl.u32 s8, $0x3;
	s25 =	sadd.s32 s6, s24;
	[dreg:$0x7] =	wrdreg s5  }
0x15: {  	s0 =	sadd.s32 s8, s0;
	s11 =	sadd.s32 s7, s24;
	[dreg:$0x5] =	wrdreg s25  }
0x16: {  	s0 =	sadd.s32 $0xAEA00, s0;
	s24 =	simm.s32 $0xD80;
	[dreg:$0x6] =	wrdreg s11  }
0x17: {  	v1 =	vimm.f32 $0.0e+00;
	[dreg:$0x8] =	wrdreg s0;
	s25 =	simm.s32 $0x3700;
	s0 =	simm.s32 $0x1  }
.LBB2_1:
0x18: {  	s5 =	rddreg [dreg:$0x3]  }
0x19: {  	[tilespmem:s15], [sflag:$0x5] =	stream.linear.gather [hbm4b:s5+s3], $0x2800, $0x38;
	[tilespmem:$0x1EF00] =	vst v63  }
0x1a: {  	_ =	swait.ge [sflag:s16], $0x2800  }
0x1b: {  	[sflag:s16] =	ssyncset.done $0x0  }
0x1c: {  	s8 =	simm.s32 $0x0;
	s5 =	simm.s32 $0x40;
	[sflag:s16] =	ssyncadd.s32 $0xFFFFD800  }
.LBB2_2:
0x1d: {  	p0 =	sne.s32 s5, $0x9FC0;
	[tilespmem:s8+$0x8700] =	vst v1;
	s8 =	smov.u32 s5;
	s5 =	sadd.s32 $0x40, s5  }
.Ltmp0:
0x1e: {  	(pc) =	sbr.rel @p0 .LBB2_2-.Ltmp0, $2  }
0x1f: {  	_ =	sdelay $0x2  }
0x20: {  	s8 =	sshra.s32 s8, $0x2  }
0x21: {  	[tilespmem:s8+$0x8700] =	vst v1;
	s5 =	rddreg [dreg:$0x4]  }
0x22: {  	[spmem:s18], [sflag:s17] =	dma.local [hbm:s5], $0x2800  }
0x23: {  	_ =	swait.ge [sflag:s16], $0x2800  }
0x24: {  	[sflag:s16] =	ssyncset.done $0x0  }
0x25: {  	[sflag:s16] =	ssyncadd.s32 $0xFFFFD800  }
0x26: {  	[bflag:$0x0] =	sbarrier.arrive $0xFFFF  }
0x27: {  	s10 =	rddreg [dreg:$0x5]  }
0x28: {  	[tilespmem:s3], [sflag:$0x5] =	stream.linear.gather [hbm4b:s10+s3], $0x640, $0x38;
	[tilespmem:$0x1EF00] =	vst v63  }
0x29: {  	_ =	swait.ge [sflag:s16], $0x640  }
0x2a: {  	[sflag:s16] =	ssyncset.done $0x0  }
0x2b: {  	s12 =	simm.s32 $0x680;
	s11 =	rddreg [dreg:$0x6];
	[sflag:s16] =	ssyncadd.s32 $0xFFFFF9C0  }
0x2c: {  	[tilespmem:s12], [sflag:$0x5] =	stream.linear.gather [hbm4b:s11+s3], $0x640, $0x38;
	[tilespmem:$0x1EF00] =	vst v63  }
0x2d: {  	_ =	swait.ge [sflag:s16], $0x640  }
0x2e: {  	[sflag:s16] =	ssyncset.done $0x0  }
0x2f: {  	[sflag:s16] =	ssyncadd.s32 $0xFFFFF9C0  }
0x30: {  	v3 =	vld [tilespmem:$0x680]  }
0x31: {  	v2 =	vld [tilespmem:$0x0];
	_ =	sdelay $0x4  }
0x32: {  	v4 =	vadd.s32 v0, v2;
	[tilespmem:$0xE00] =	vst v3  }
0x33: {  	[tilespmem:$0xD00] =	vst v4  }
0x34: {  	v3 =	vld.idx.msk [tilespmem:v3+s15+$0x0], $0xffff;
	_ =	sdelay $0x4  }
0x35: {  	[tilespmem:v2+s20+$0x0] =	vst.idx.add.f32.msk $0xffff, v3  }
0x36: {  	v3 =	vld [tilespmem:$0x690]  }
0x37: {  	v2 =	vld [tilespmem:$0x10];
	_ =	sdelay $0x4  }
0x38: {  	v40 =	vadd.s32 v0, v2;
	[tilespmem:$0xE10] =	vst v3  }
0x39: {  	[tilespmem:$0xD10] =	vst v40  }
0x3a: {  	v3 =	vld.idx.msk [tilespmem:v3+s15+$0x0], $0xffff;
	_ =	sdelay $0x4  }
0x3b: {  	[tilespmem:v2+s20+$0x0] =	vst.idx.add.f32.msk $0xffff, v3  }
0x3c: {  	v3 =	vld [tilespmem:$0x6A0]  }
0x3d: {  	v2 =	vld [tilespmem:$0x20];
	_ =	sdelay $0x4  }
0x3e: {  	v41 =	vadd.s32 v0, v2;
	[tilespmem:$0xE20] =	vst v3  }
0x3f: {  	[tilespmem:$0xD20] =	vst v41  }
0x40: {  	v3 =	vld.idx.msk [tilespmem:v3+s15+$0x0], $0xffff;
	_ =	sdelay $0x4  }
0x41: {  	[tilespmem:v2+s20+$0x0] =	vst.idx.add.f32.msk $0xffff, v3  }
0x42: {  	v3 =	vld [tilespmem:$0x6B0]  }
0x43: {  	v2 =	vld [tilespmem:$0x30];
	_ =	sdelay $0x4  }
0x44: {  	v42 =	vadd.s32 v0, v2;
	[tilespmem:$0xE30] =	vst v3  }
0x45: {  	[tilespmem:$0xD30] =	vst v42  }
0x46: {  	v3 =	vld.idx.msk [tilespmem:v3+s15+$0x0], $0xffff;
	_ =	sdelay $0x4  }
0x47: {  	[tilespmem:v2+s20+$0x0] =	vst.idx.add.f32.msk $0xffff, v3  }
0x48: {  	v3 =	vld [tilespmem:$0x6C0]  }
0x49: {  	v2 =	vld [tilespmem:$0x40];
	_ =	sdelay $0x4  }
0x4a: {  	v43 =	vadd.s32 v0, v2;
	[tilespmem:$0xE40] =	vst v3  }
0x4b: {  	[tilespmem:$0xD40] =	vst v43  }
0x4c: {  	v3 =	vld.idx.msk [tilespmem:v3+s15+$0x0], $0xffff;
	_ =	sdelay $0x4  }
0x4d: {  	[tilespmem:v2+s20+$0x0] =	vst.idx.add.f32.msk $0xffff, v3  }
0x4e: {  	[tilespmem:s23], [sflag:$0x1] =	stream.indirect.gather [hbm4b:s4+s21], $0x80, s22, s21, $0xb8;
	[tilespmem:$0x1EF00] =	vst v63  }
0x4f: {  	v3 =	vld [tilespmem:$0x6D0]  }
0x50: {  	v2 =	vld [tilespmem:$0x50];
	_ =	sdelay $0x4  }
0x51: {  	v44 =	vadd.s32 v0, v2;
	[tilespmem:$0xE80] =	vst v3  }
0x52: {  	[tilespmem:$0xD80] =	vst v44  }
0x53: {  	v3 =	vld.idx.msk [tilespmem:v3+s15+$0x0], $0xffff;
	_ =	sdelay $0x4  }
0x54: {  	[tilespmem:v2+s20+$0x0] =	vst.idx.add.f32.msk $0xffff, v3  }
0x55: {  	v3 =	vld [tilespmem:$0x6E0]  }
0x56: {  	v2 =	vld [tilespmem:$0x60];
	_ =	sdelay $0x4  }
0x57: {  	v45 =	vadd.s32 v0, v2;
	[tilespmem:$0xE90] =	vst v3  }
0x58: {  	[tilespmem:$0xD90] =	vst v45  }
0x59: {  	v3 =	vld.idx.msk [tilespmem:v3+s15+$0x0], $0xffff;
	_ =	sdelay $0x4  }
0x5a: {  	[tilespmem:v2+s20+$0x0] =	vst.idx.add.f32.msk $0xffff, v3  }
0x5b: {  	v3 =	vld [tilespmem:$0x6F0]  }
0x5c: {  	v2 =	vld [tilespmem:$0x70];
	_ =	sdelay $0x4  }
0x5d: {  	v46 =	vadd.s32 v0, v2;
	[tilespmem:$0xEA0] =	vst v3  }
0x5e: {  	[tilespmem:$0xDA0] =	vst v46  }
0x5f: {  	v3 =	vld.idx.msk [tilespmem:v3+s15+$0x0], $0xffff;
	_ =	sdelay $0x4  }
0x60: {  	[tilespmem:v2+s20+$0x0] =	vst.idx.add.f32.msk $0xffff, v3  }
0x61: {  	v3 =	vld [tilespmem:$0x700]  }
0x62: {  	v2 =	vld [tilespmem:$0x80];
	_ =	sdelay $0x4  }
0x63: {  	v47 =	vadd.s32 v0, v2;
	[tilespmem:$0xEB0] =	vst v3  }
0x64: {  	[tilespmem:$0xDB0] =	vst v47  }
0x65: {  	v3 =	vld.idx.msk [tilespmem:v3+s15+$0x0], $0xffff;
	_ =	sdelay $0x4  }
0x66: {  	[tilespmem:v2+s20+$0x0] =	vst.idx.add.f32.msk $0xffff, v3  }
0x67: {  	v3 =	vld [tilespmem:$0x710]  }
0x68: {  	v2 =	vld [tilespmem:$0x90];
	_ =	sdelay $0x4  }
0x69: {  	v48 =	vadd.s32 v0, v2;
	[tilespmem:$0xEC0] =	vst v3  }
0x6a: {  	[tilespmem:$0xDC0] =	vst v48  }
0x6b: {  	v3 =	vld.idx.msk [tilespmem:v3+s15+$0x0], $0xffff;
	_ =	sdelay $0x4  }
0x6c: {  	s13 =	simm.s32 $0x1;
	[tilespmem:v2+s20+$0x0] =	vst.idx.add.f32.msk $0xffff, v3  }
0x6d: {  	[tilespmem:s25], [sflag:$0x2] =	stream.indirect.gather [hbm4b:s4+s21], $0x80, s24, s21, $0xb8;
	[tilespmem:$0x1EF00] =	vst v63  }
0x6e: {  	_ =	swait.ge [sflag:s13], $0x2800  }
0x6f: {  	[sflag:s13] =	ssyncset.done $0x0  }
0x70: {  	[sflag:s13] =	ssyncadd.s32 $0xFFFFD800  }
0x71: {  	[spmem:s1] =	stream.indirect.scatter.add.f32 [tilespmem:s23], [sflag:$0x3], $0x80, s26, s21, $0xb8;
	[tilespmem:$0x1EF00] =	vst v63  }
0x72: {  	_ =	swait.ge [sflag:s28], $0x2800  }
0x73: {  	[sflag:s28] =	ssyncset.done $0x0  }
0x74: {  	[sflag:s28] =	ssyncadd.s32 $0xFFFFD800  }
0x75: {  	v3 =	vld [tilespmem:$0x720]  }
0x76: {  	v2 =	vld [tilespmem:$0xA0];
	_ =	sdelay $0x4  }
0x77: {  	v49 =	vadd.s32 v0, v2;
	[tilespmem:$0xE00] =	vst v3  }
0x78: {  	[tilespmem:$0xD00] =	vst v49  }
0x79: {  	v3 =	vld.idx.msk [tilespmem:v3+s15+$0x0], $0xffff;
	_ =	sdelay $0x4  }
0x7a: {  	[tilespmem:v2+s20+$0x0] =	vst.idx.add.f32.msk $0xffff, v3  }
0x7b: {  	v3 =	vld [tilespmem:$0x730]  }
0x7c: {  	v2 =	vld [tilespmem:$0xB0];
	_ =	sdelay $0x4  }
0x7d: {  	v50 =	vadd.s32 v0, v2;
	[tilespmem:$0xE10] =	vst v3  }
0x7e: {  	[tilespmem:$0xD10] =	vst v50  }
0x7f: {  	v3 =	vld.idx.msk [tilespmem:v3+s15+$0x0], $0xffff;
	_ =	sdelay $0x4  }
0x80: {  	[tilespmem:v2+s20+$0x0] =	vst.idx.add.f32.msk $0xffff, v3  }
0x81: {  	v3 =	vld [tilespmem:$0x740]  }
0x82: {  	v2 =	vld [tilespmem:$0xC0];
	_ =	sdelay $0x4  }
0x83: {  	v51 =	vadd.s32 v0, v2;
	[tilespmem:$0xE20] =	vst v3  }
0x84: {  	[tilespmem:$0xD20] =	vst v51  }
0x85: {  	v3 =	vld.idx.msk [tilespmem:v3+s15+$0x0], $0xffff;
	_ =	sdelay $0x4  }
0x86: {  	[tilespmem:v2+s20+$0x0] =	vst.idx.add.f32.msk $0xffff, v3  }
0x87: {  	v3 =	vld [tilespmem:$0x750]  }
0x88: {  	v2 =	vld [tilespmem:$0xD0];
	_ =	sdelay $0x4  }
0x89: {  	v52 =	vadd.s32 v0, v2;
	[tilespmem:$0xE30] =	vst v3  }
0x8a: {  	[tilespmem:$0xD30] =	vst v52  }
0x8b: {  	v3 =	vld.idx.msk [tilespmem:v3+s15+$0x0], $0xffff;
	_ =	sdelay $0x4  }
0x8c: {  	[tilespmem:v2+s20+$0x0] =	vst.idx.add.f32.msk $0xffff, v3  }
0x8d: {  	v3 =	vld [tilespmem:$0x760]  }
0x8e: {  	v2 =	vld [tilespmem:$0xE0];
	_ =	sdelay $0x4  }
0x8f: {  	v53 =	vadd.s32 v0, v2;
	[tilespmem:$0xE40] =	vst v3  }
0x90: {  	[tilespmem:$0xD40] =	vst v53  }
0x91: {  	v3 =	vld.idx.msk [tilespmem:v3+s15+$0x0], $0xffff  }
0x92: {  	s5 =	sshllo.u32 s13, $0x1  }
0x93: {  	s19 =	sand.u32 $0xFF, s5  }
0x94: {  	s8 =	smul.u32 $0xCD, s19;
	_ =	sdelay $0x1  }
0x95: {  	s8 =	sshrl.u32 s8, $0xC;
	[tilespmem:v2+s20+$0x0] =	vst.idx.add.f32.msk $0xffff, v3  }
0x96: {  	[tilespmem:s23], [sflag:$0x1] =	stream.indirect.gather [hbm4b:s4+s21], $0x80, s22, s21, $0xb8;
	[tilespmem:$0x1EF00] =	vst v63  }
0x97: {  	s8 =	smul.u32 $0x14, s8;
	_ =	swait.ge [sflag:s29], $0x2800  }
0x98: {  	[sflag:s29] =	ssyncset.done $0x0  }
0x99: {  	s5 =	ssub.s32 s5, s8;
	[sflag:s29] =	ssyncadd.s32 $0xFFFFD800  }
0x9a: {  	[spmem:s1] =	stream.indirect.scatter.add.f32 [tilespmem:s25], [sflag:$0x4], $0x80, s30, s21, $0xb8;
	[tilespmem:$0x1EF00] =	vst v63  }
0x9b: {  	s5 =	sand.u32 $0xFF, s5;
	_ =	swait.ge [sflag:s31], $0x2800  }
0x9c: {  	s5 =	smul.u32 $0x50, s5;
	[sflag:s31] =	ssyncset.done $0x0  }
0x9d: {  	[sflag:s31] =	ssyncadd.s32 $0xFFFFD800  }
0x9e: {  	v2 =	vld [tilespmem:s5+$0x680]  }
0x9f: {  	v3 =	vld [tilespmem:s5+$0x0];
	_ =	sdelay $0x4  }
0xa0: {  	v54 =	vadd.s32 v0, v3;
	[tilespmem:$0xE80] =	vst v2  }
0xa1: {  	[tilespmem:$0xD80] =	vst v54  }
0xa2: {  	v2 =	vld.idx.msk [tilespmem:v2+s15+$0x0], $0xffff;
	_ =	sdelay $0x4  }
0xa3: {  	[tilespmem:v3+s20+$0x0] =	vst.idx.add.f32.msk $0xffff, v2  }
0xa4: {  	v2 =	vld [tilespmem:s5+$0x690]  }
0xa5: {  	v3 =	vld [tilespmem:s5+$0x10];
	_ =	sdelay $0x4  }
0xa6: {  	v55 =	vadd.s32 v0, v3;
	[tilespmem:$0xE90] =	vst v2  }
0xa7: {  	[tilespmem:$0xD90] =	vst v55  }
0xa8: {  	v2 =	vld.idx.msk [tilespmem:v2+s15+$0x0], $0xffff;
	_ =	sdelay $0x4  }
0xa9: {  	[tilespmem:v3+s20+$0x0] =	vst.idx.add.f32.msk $0xffff, v2  }
0xaa: {  	v2 =	vld [tilespmem:s5+$0x6A0]  }
0xab: {  	v3 =	vld [tilespmem:s5+$0x20];
	_ =	sdelay $0x4  }
0xac: {  	[tilespmem:$0xEA0] =	vst v2;
	v56 =	vadd.s32 v0, v3  }
0xad: {  	[tilespmem:$0xDA0] =	vst v56  }
0xae: {  	v2 =	vld.idx.msk [tilespmem:v2+s15+$0x0], $0xffff;
	_ =	sdelay $0x4  }
0xaf: {  	[tilespmem:v3+s20+$0x0] =	vst.idx.add.f32.msk $0xffff, v2  }
0xb0: {  	v2 =	vld [tilespmem:s5+$0x6B0]  }
0xb1: {  	v3 =	vld [tilespmem:s5+$0x30];
	_ =	sdelay $0x4  }
0xb2: {  	[tilespmem:$0xEB0] =	vst v2;
	v57 =	vadd.s32 v0, v3  }
0xb3: {  	[tilespmem:$0xDB0] =	vst v57  }
0xb4: {  	v2 =	vld.idx.msk [tilespmem:v2+s15+$0x0], $0xffff;
	_ =	sdelay $0x4  }
0xb5: {  	[tilespmem:v3+s20+$0x0] =	vst.idx.add.f32.msk $0xffff, v2  }
0xb6: {  	v2 =	vld [tilespmem:s5+$0x6C0]  }
0xb7: {  	v3 =	vld [tilespmem:s5+$0x40]  }
0xb8: {  	s5 =	simm.s32 $0x4  }
0xb9: {  	s10 =	sand.u32 $0xFE, s5  }
0xba: {  	s8 =	smul.u32 $0xCD, s10;
	_ =	sdelay $0x1  }
0xbb: {  	s8 =	sshrl.u32 s8, $0xC;
	[tilespmem:$0xEC0] =	vst v2;
	v58 =	vadd.s32 v0, v3  }
0xbc: {  	s8 =	smul.u32 $0x14, s8;
	[tilespmem:$0xDC0] =	vst v58  }
0xbd: {  	v2 =	vld.idx.msk [tilespmem:v2+s15+$0x0], $0xffff  }
0xbe: {  	s8 =	ssub.s32 $0x4, s8  }
0xbf: {  	s8 =	sand.u32 $0xFE, s8  }
0xc0: {  	p0 =	sne.s32 s8, $0x0  }
0xc1: {  	s5 =	sand.u32 @!p0 $0xFF, s5  }
0xc2: {  	s5 =	smul.u32 @!p0 $0xCD, s5;
	[tilespmem:v3+s20+$0x0] =	vst.idx.add.f32.msk $0xffff, v2  }
0xc3: {  	[tilespmem:s25], [sflag:$0x2] =	stream.indirect.gather [hbm4b:s4+s21], $0x80, s24, s21, $0xb8;
	[tilespmem:$0x1EF00] =	vst v63  }
0xc4: {  	_ =	swait.ge [sflag:s0], $0x2800  }
0xc5: {  	s5 =	sshrl.u32 @!p0 s5, $0xC;
	[sflag:s0] =	ssyncset.done $0x0  }
0xc6: {  	s5 =	smul.u32 @!p0 $0x640, s5;
	[sflag:s0] =	ssyncadd.s32 $0xFFFFD800  }
0xc7: {  	[spmem:s1] =	stream.indirect.scatter.add.f32 [tilespmem:s23], [sflag:$0x3], $0x80, s26, s21, $0xb8;
	[tilespmem:$0x1EF00] =	vst v63  }
0xc8: {  	s5 =	sadd.s32 @!p0 s9, s5;
	_ =	swait.ge [sflag:s28], $0x2800  }
0xc9: {  	s10 =	simm.s32 @!p0 $0x5;
	s5 =	sshrl.u32 @!p0 s5, $0x3;
	[sflag:s28] =	ssyncset.done $0x0  }
0xca: {  	s11 =	simm.s32 @!p0 $0x0;
	s19 =	sadd.s32 @!p0 s6, s5;
	[sflag:s28] =	ssyncadd.s32 $0xFFFFD800  }
0xcb: {  	[tilespmem:s11], [sflag:$0x5] =	stream.linear.gather @!p0 [hbm4b:s19+s11], $0x640, $0x38;
	[tilespmem:$0x1EF00] =	vst v63  }
0xcc: {  	_ =	swait.ge @!p0 [sflag:s10], $0x640  }
0xcd: {  	[sflag:s10] =	ssyncset.done @!p0 $0x0  }
0xce: {  	s5 =	sadd.s32 @!p0 s7, s5;
	s19 =	simm.s32 @!p0 $0x680;
	[sflag:s10] =	ssyncadd.s32 @!p0 $0xFFFFF9C0  }
0xcf: {  	[tilespmem:s19], [sflag:$0x5] =	stream.linear.gather @!p0 [hbm4b:s5+s11], $0x640, $0x38;
	[tilespmem:$0x1EF00] =	vst v63  }
0xd0: {  	_ =	swait.ge @!p0 [sflag:s10], $0x640  }
0xd1: {  	s11 =	smul.u32 $0x50, s8;
	[sflag:s10] =	ssyncset.done @!p0 $0x0  }
0xd2: {  	[sflag:s10] =	ssyncadd.s32 @!p0 $0xFFFFF9C0  }
0xd3: {  	v2 =	vld [tilespmem:s11+$0x680]  }
0xd4: {  	v3 =	vld [tilespmem:s11+$0x0];
	_ =	sdelay $0x4  }
0xd5: {  	v59 =	vadd.s32 v0, v3;
	[tilespmem:$0xE00] =	vst v2  }
0xd6: {  	[tilespmem:$0xD00] =	vst v59  }
0xd7: {  	v2 =	vld.idx.msk [tilespmem:v2+s15+$0x0], $0xffff;
	_ =	sdelay $0x4  }
0xd8: {  	[tilespmem:v3+s20+$0x0] =	vst.idx.add.f32.msk $0xffff, v2  }
0xd9: {  	s8 =	sor.u32 $0x10, s11;
	v2 =	vld [tilespmem:s11+$0x690]  }
0xda: {  	v3 =	vld [tilespmem:s8+$0x0];
	_ =	sdelay $0x4  }
0xdb: {  	v60 =	vadd.s32 v0, v3;
	[tilespmem:$0xE10] =	vst v2  }
0xdc: {  	[tilespmem:$0xD10] =	vst v60  }
0xdd: {  	v2 =	vld.idx.msk [tilespmem:v2+s15+$0x0], $0xffff;
	_ =	sdelay $0x4  }
0xde: {  	[tilespmem:v3+s20+$0x0] =	vst.idx.add.f32.msk $0xffff, v2  }
0xdf: {  	v2 =	vld [tilespmem:s11+$0x6A0]  }
0xe0: {  	v3 =	vld [tilespmem:s11+$0x20];
	_ =	sdelay $0x4  }
0xe1: {  	[tilespmem:$0xE20] =	vst v2;
	v61 =	vadd.s32 v0, v3  }
0xe2: {  	[tilespmem:$0xD20] =	vst v61  }
0xe3: {  	v2 =	vld.idx.msk [tilespmem:v2+s15+$0x0], $0xffff;
	_ =	sdelay $0x4  }
0xe4: {  	[tilespmem:v3+s20+$0x0] =	vst.idx.add.f32.msk $0xffff, v2  }
0xe5: {  	v2 =	vld [tilespmem:s11+$0x6B0]  }
0xe6: {  	v3 =	vld [tilespmem:s11+$0x30];
	_ =	sdelay $0x4  }
0xe7: {  	[tilespmem:$0xE30] =	vst v2;
	v62 =	vadd.s32 v0, v3  }
0xe8: {  	[tilespmem:$0xD30] =	vst v62  }
0xe9: {  	v2 =	vld.idx.msk [tilespmem:v2+s15+$0x0], $0xffff;
	_ =	sdelay $0x4  }
0xea: {  	[tilespmem:v3+s20+$0x0] =	vst.idx.add.f32.msk $0xffff, v2  }
0xeb: {  	v2 =	vld [tilespmem:s11+$0x6C0]  }
0xec: {  	v3 =	vld [tilespmem:s11+$0x40];
	_ =	sdelay $0x4  }
0xed: {  	[tilespmem:$0xE40] =	vst v2;
	v63 =	vadd.s32 v0, v3  }
0xee: {  	s19 =	simm.s32 $0x2;
	[tilespmem:$0xD40] =	vst v63  }
0xef: {  	s10 =	sshllo.u32 s19, $0x1;
	v2 =	vld.idx.msk [tilespmem:v2+s15+$0x0], $0xffff  }
0xf0: {  	s12 =	sand.u32 $0xFF, s10  }
0xf1: {  	s5 =	smul.u32 $0xCD, s12;
	_ =	sdelay $0x1  }
0xf2: {  	s13 =	sshrl.u32 s5, $0xC  }
0xf3: {  	s5 =	simm.s32 $0x3;
	s11 =	smul.u32 $0x14, s13;
	[tilespmem:v3+s20+$0x0] =	vst.idx.add.f32.msk $0xffff, v2  }
.LBB2_4:
0xf4: {  	[tilespmem:s23], [sflag:$0x1] =	stream.indirect.gather [hbm4b:s4+s21], $0x80, s22, s21, $0xb8;
	[tilespmem:$0x1EF00] =	vst v63  }
0xf5: {  	s8 =	smov.u32 s5  }
0xf6: {  	s5 =	sadd.s32 $0x1, s5;
	s10 =	ssub.s32 s10, s11;
	_ =	swait.ge [sflag:s29], $0x2800  }
0xf7: {  	p0 =	sne.s32 s5, $0x3E;
	s10 =	sand.u32 $0xFF, s10;
	[sflag:s29] =	ssyncset.done $0x0  }
0xf8: {  	[sflag:s29] =	ssyncadd.s32 $0xFFFFD800  }
0xf9: {  	[spmem:s1] =	stream.indirect.scatter.add.f32 [tilespmem:s25], [sflag:$0x4], $0x80, s30, s21, $0xb8;
	[tilespmem:$0x1EF00] =	vst v63  }
0xfa: {  	_ =	swait.ge [sflag:s31], $0x2800  }
0xfb: {  	s10 =	smul.u32 $0x50, s10;
	[sflag:s31] =	ssyncset.done $0x0  }
0xfc: {  	[sflag:s31] =	ssyncadd.s32 $0xFFFFD800  }
0xfd: {  	v2 =	vld [tilespmem:s10+$0x680]  }
0xfe: {  	v3 =	vld [tilespmem:s10+$0x0];
	_ =	sdelay $0x4  }
0xff: {  	v4 =	vadd.s32 v0, v3;
	[tilespmem:$0xE80] =	vst v2  }
0x100: {  	[tilespmem:$0xD80] =	vst v4  }
0x101: {  	v2 =	vld.idx.msk [tilespmem:v2+s15+$0x0], $0xffff;
	_ =	sdelay $0x5  }
0x102: {  	[tilespmem:v3+s20+$0x0] =	vst.idx.add.f32.msk $0xffff, v2  }
0x103: {  	v2 =	vld [tilespmem:s10+$0x690]  }
0x104: {  	v3 =	vld [tilespmem:s10+$0x10];
	_ =	sdelay $0x4  }
0x105: {  	v4 =	vadd.s32 v0, v3;
	[tilespmem:$0xE90] =	vst v2  }
0x106: {  	[tilespmem:$0xD90] =	vst v4  }
0x107: {  	v2 =	vld.idx.msk [tilespmem:v2+s15+$0x0], $0xffff;
	_ =	sdelay $0x5  }
0x108: {  	[tilespmem:v3+s20+$0x0] =	vst.idx.add.f32.msk $0xffff, v2  }
0x109: {  	v2 =	vld [tilespmem:s10+$0x6A0]  }
0x10a: {  	v3 =	vld [tilespmem:s10+$0x20];
	_ =	sdelay $0x3  }
0x10b: {  	[tilespmem:$0xEA0] =	vst v2  }
0x10c: {  	v4 =	vadd.s32 v0, v3  }
0x10d: {  	[tilespmem:$0xDA0] =	vst v4  }
0x10e: {  	v2 =	vld.idx.msk [tilespmem:v2+s15+$0x0], $0xffff;
	_ =	sdelay $0x5  }
0x10f: {  	[tilespmem:v3+s20+$0x0] =	vst.idx.add.f32.msk $0xffff, v2  }
0x110: {  	v2 =	vld [tilespmem:s10+$0x6B0]  }
0x111: {  	v3 =	vld [tilespmem:s10+$0x30];
	_ =	sdelay $0x3  }
0x112: {  	[tilespmem:$0xEB0] =	vst v2  }
0x113: {  	v4 =	vadd.s32 v0, v3  }
0x114: {  	[tilespmem:$0xDB0] =	vst v4  }
0x115: {  	v2 =	vld.idx.msk [tilespmem:v2+s15+$0x0], $0xffff;
	_ =	sdelay $0x5  }
0x116: {  	[tilespmem:v3+s20+$0x0] =	vst.idx.add.f32.msk $0xffff, v2  }
0x117: {  	v2 =	vld [tilespmem:s10+$0x6C0]  }
0x118: {  	v3 =	vld [tilespmem:s10+$0x40];
	_ =	sdelay $0x1  }
0x119: {  	s10 =	sshll.u32 s19, $0x1;
	s19 =	smov.u32 s8  }
0x11a: {  	s8 =	sadd.s32 $0x2, s10  }
0x11b: {  	s10 =	sand.u32 $0xFE, s8;
	[tilespmem:$0xEC0] =	vst v2  }
0x11c: {  	s10 =	smul.u32 $0xCD, s10;
	v4 =	vadd.s32 v0, v3  }
0x11d: {  	[tilespmem:$0xDC0] =	vst v4  }
0x11e: {  	s10 =	sshrl.u32 s10, $0xC;
	v2 =	vld.idx.msk [tilespmem:v2+s15+$0x0], $0xffff  }
0x11f: {  	s10 =	smul.u32 $0x14, s10;
	_ =	sdelay $0x1  }
0x120: {  	s10 =	ssub.s32 s8, s10  }
0x121: {  	s10 =	sand.u32 $0xFE, s10  }
0x122: {  	p1 =	sne.s32 s10, $0x0  }
0x123: {  	s8 =	sand.u32 @!p1 $0xFF, s8;
	[tilespmem:v3+s20+$0x0] =	vst.idx.add.f32.msk $0xffff, v2  }
0x124: {  	[tilespmem:s25], [sflag:$0x2] =	stream.indirect.gather [hbm4b:s4+s21], $0x80, s24, s21, $0xb8;
	[tilespmem:$0x1EF00] =	vst v63  }
0x125: {  	s8 =	smul.u32 @!p1 $0xCD, s8;
	_ =	swait.ge [sflag:s0], $0x2800  }
0x126: {  	[sflag:s0] =	ssyncset.done $0x0  }
0x127: {  	s8 =	sshrl.u32 @!p1 s8, $0xC;
	[sflag:s0] =	ssyncadd.s32 $0xFFFFD800  }
0x128: {  	s8 =	smul.u32 @!p1 $0x640, s8  }
0x129: {  	[spmem:s1] =	stream.indirect.scatter.add.f32 [tilespmem:s23], [sflag:$0x3], $0x80, s26, s21, $0xb8;
	[tilespmem:$0x1EF00] =	vst v63  }
0x12a: {  	s11 =	simm.s32 @!p1 $0x5;
	s8 =	sadd.s32 @!p1 s9, s8;
	_ =	swait.ge [sflag:s28], $0x2800  }
0x12b: {  	s12 =	simm.s32 @!p1 $0x0;
	s8 =	sshrl.u32 @!p1 s8, $0x3;
	[sflag:s28] =	ssyncset.done $0x0  }
0x12c: {  	s13 =	sadd.s32 @!p1 s6, s8;
	s8 =	sadd.s32 @!p1 s7, s8;
	[sflag:s28] =	ssyncadd.s32 $0xFFFFD800  }
0x12d: {  	[tilespmem:s12], [sflag:$0x5] =	stream.linear.gather @!p1 [hbm4b:s13+s12], $0x640, $0x38;
	[tilespmem:$0x1EF00] =	vst v63  }
0x12e: {  	_ =	swait.ge @!p1 [sflag:s11], $0x640  }
0x12f: {  	[sflag:s11] =	ssyncset.done @!p1 $0x0  }
0x130: {  	s13 =	simm.s32 @!p1 $0x680;
	[sflag:s11] =	ssyncadd.s32 @!p1 $0xFFFFF9C0  }
0x131: {  	[tilespmem:s13], [sflag:$0x5] =	stream.linear.gather @!p1 [hbm4b:s8+s12], $0x640, $0x38;
	[tilespmem:$0x1EF00] =	vst v63  }
0x132: {  	_ =	swait.ge @!p1 [sflag:s11], $0x640  }
0x133: {  	s8 =	smul.u32 $0x50, s10;
	[sflag:s11] =	ssyncset.done @!p1 $0x0  }
0x134: {  	[sflag:s11] =	ssyncadd.s32 @!p1 $0xFFFFF9C0  }
0x135: {  	v2 =	vld [tilespmem:s8+$0x680]  }
0x136: {  	v3 =	vld [tilespmem:s8+$0x0];
	_ =	sdelay $0x4  }
0x137: {  	v4 =	vadd.s32 v0, v3;
	[tilespmem:$0xE00] =	vst v2  }
0x138: {  	[tilespmem:$0xD00] =	vst v4  }
0x139: {  	v2 =	vld.idx.msk [tilespmem:v2+s15+$0x0], $0xffff;
	_ =	sdelay $0x5  }
0x13a: {  	[tilespmem:v3+s20+$0x0] =	vst.idx.add.f32.msk $0xffff, v2  }
0x13b: {  	s10 =	sor.u32 $0x10, s8;
	v2 =	vld [tilespmem:s8+$0x690]  }
0x13c: {  	v3 =	vld [tilespmem:s10+$0x0];
	_ =	sdelay $0x4  }
0x13d: {  	v4 =	vadd.s32 v0, v3;
	[tilespmem:$0xE10] =	vst v2  }
0x13e: {  	[tilespmem:$0xD10] =	vst v4  }
0x13f: {  	v2 =	vld.idx.msk [tilespmem:v2+s15+$0x0], $0xffff;
	_ =	sdelay $0x5  }
0x140: {  	[tilespmem:v3+s20+$0x0] =	vst.idx.add.f32.msk $0xffff, v2  }
0x141: {  	v2 =	vld [tilespmem:s8+$0x6A0]  }
0x142: {  	v3 =	vld [tilespmem:s8+$0x20];
	_ =	sdelay $0x3  }
0x143: {  	[tilespmem:$0xE20] =	vst v2  }
0x144: {  	v4 =	vadd.s32 v0, v3  }
0x145: {  	[tilespmem:$0xD20] =	vst v4  }
0x146: {  	v2 =	vld.idx.msk [tilespmem:v2+s15+$0x0], $0xffff;
	_ =	sdelay $0x5  }
0x147: {  	[tilespmem:v3+s20+$0x0] =	vst.idx.add.f32.msk $0xffff, v2  }
0x148: {  	v2 =	vld [tilespmem:s8+$0x6B0]  }
0x149: {  	v3 =	vld [tilespmem:s8+$0x30];
	_ =	sdelay $0x3  }
0x14a: {  	[tilespmem:$0xE30] =	vst v2  }
0x14b: {  	v4 =	vadd.s32 v0, v3  }
0x14c: {  	[tilespmem:$0xD30] =	vst v4  }
0x14d: {  	v2 =	vld.idx.msk [tilespmem:v2+s15+$0x0], $0xffff;
	_ =	sdelay $0x5  }
0x14e: {  	[tilespmem:v3+s20+$0x0] =	vst.idx.add.f32.msk $0xffff, v2  }
0x14f: {  	v2 =	vld [tilespmem:s8+$0x6C0]  }
0x150: {  	v3 =	vld [tilespmem:s8+$0x40];
	_ =	sdelay $0x3  }
0x151: {  	[tilespmem:$0xE40] =	vst v2  }
0x152: {  	v4 =	vadd.s32 v0, v3  }
0x153: {  	[tilespmem:$0xD40] =	vst v4  }
0x154: {  	v2 =	vld.idx.msk [tilespmem:v2+s15+$0x0], $0xffff  }
0x155: {  	s10 =	sshllo.u32 s19, $0x1  }
.Ltmp1:
0x156: {  	s8 =	sand.u32 $0xFF, s10;
	(pc) =	sbr.rel @p0 .LBB2_4-.Ltmp1, $3  }
0x157: {  	s8 =	smul.u32 $0xCD, s8;
	_ =	sdelay $0x1  }
0x158: {  	s8 =	sshrl.u32 s8, $0xC  }
0x159: {  	s11 =	smul.u32 $0x14, s8;
	[tilespmem:v3+s20+$0x0] =	vst.idx.add.f32.msk $0xffff, v2  }
0x15a: {  	[tilespmem:s23], [sflag:$0x1] =	stream.indirect.gather [hbm4b:s4+s21], $0x80, s22, s21, $0xb8;
	[tilespmem:$0x1EF00] =	vst v63  }
0x15b: {  	_ =	swait.ge [sflag:s29], $0x2800  }
0x15c: {  	[sflag:s29] =	ssyncset.done $0x0  }
0x15d: {  	s5 =	ssub.s32 s10, s11;
	[sflag:s29] =	ssyncadd.s32 $0xFFFFD800  }
0x15e: {  	[spmem:s1] =	stream.indirect.scatter.add.f32 [tilespmem:s25], [sflag:$0x4], $0x80, s30, s21, $0xb8;
	[tilespmem:$0x1EF00] =	vst v63  }
0x15f: {  	s5 =	sand.u32 $0xFF, s5;
	_ =	swait.ge [sflag:s31], $0x2800  }
0x160: {  	s5 =	smul.u32 $0x50, s5;
	[sflag:s31] =	ssyncset.done $0x0  }
0x161: {  	[sflag:s31] =	ssyncadd.s32 $0xFFFFD800  }
0x162: {  	v2 =	vld [tilespmem:s5+$0x680]  }
0x163: {  	v3 =	vld [tilespmem:s5+$0x0];
	_ =	sdelay $0x4  }
0x164: {  	v4 =	vadd.s32 v0, v3;
	[tilespmem:$0xE80] =	vst v2  }
0x165: {  	[tilespmem:$0xD80] =	vst v4  }
0x166: {  	v2 =	vld.idx.msk [tilespmem:v2+s15+$0x0], $0xffff;
	_ =	sdelay $0x4  }
0x167: {  	[tilespmem:v3+s20+$0x0] =	vst.idx.add.f32.msk $0xffff, v2  }
0x168: {  	v2 =	vld [tilespmem:s5+$0x690]  }
0x169: {  	v3 =	vld [tilespmem:s5+$0x10];
	_ =	sdelay $0x4  }
0x16a: {  	v55 =	vadd.s32 v0, v3;
	[tilespmem:$0xE90] =	vst v2  }
0x16b: {  	[tilespmem:$0xD90] =	vst v55  }
0x16c: {  	v2 =	vld.idx.msk [tilespmem:v2+s15+$0x0], $0xffff;
	_ =	sdelay $0x4  }
0x16d: {  	[tilespmem:v3+s20+$0x0] =	vst.idx.add.f32.msk $0xffff, v2  }
0x16e: {  	v2 =	vld [tilespmem:s5+$0x6A0]  }
0x16f: {  	v3 =	vld [tilespmem:s5+$0x20];
	_ =	sdelay $0x4  }
0x170: {  	[tilespmem:$0xEA0] =	vst v2;
	v56 =	vadd.s32 v0, v3  }
0x171: {  	[tilespmem:$0xDA0] =	vst v56  }
0x172: {  	v2 =	vld.idx.msk [tilespmem:v2+s15+$0x0], $0xffff;
	_ =	sdelay $0x4  }
0x173: {  	[tilespmem:v3+s20+$0x0] =	vst.idx.add.f32.msk $0xffff, v2  }
0x174: {  	v2 =	vld [tilespmem:s5+$0x6B0]  }
0x175: {  	v3 =	vld [tilespmem:s5+$0x30];
	_ =	sdelay $0x4  }
0x176: {  	[tilespmem:$0xEB0] =	vst v2;
	v57 =	vadd.s32 v0, v3  }
0x177: {  	[tilespmem:$0xDB0] =	vst v57  }
0x178: {  	v2 =	vld.idx.msk [tilespmem:v2+s15+$0x0], $0xffff;
	_ =	sdelay $0x4  }
0x179: {  	[tilespmem:v3+s20+$0x0] =	vst.idx.add.f32.msk $0xffff, v2  }
0x17a: {  	v2 =	vld [tilespmem:s5+$0x6C0]  }
0x17b: {  	s13 =	sshll.u32 s19, $0x1;
	v3 =	vld [tilespmem:s5+$0x40]  }
0x17c: {  	s5 =	sadd.s32 $0x2, s13  }
0x17d: {  	s8 =	sand.u32 $0xFE, s5  }
0x17e: {  	s8 =	smul.u32 $0xCD, s8;
	_ =	sdelay $0x1  }
0x17f: {  	s8 =	sshrl.u32 s8, $0xC;
	[tilespmem:$0xEC0] =	vst v2;
	v58 =	vadd.s32 v0, v3  }
0x180: {  	s8 =	smul.u32 $0x14, s8;
	[tilespmem:$0xDC0] =	vst v58  }
0x181: {  	v2 =	vld.idx.msk [tilespmem:v2+s15+$0x0], $0xffff  }
0x182: {  	s8 =	ssub.s32 s5, s8  }
0x183: {  	s8 =	sand.u32 $0xFE, s8  }
0x184: {  	p0 =	sne.s32 s8, $0x0  }
0x185: {  	s5 =	sand.u32 @!p0 $0xFF, s5  }
0x186: {  	s5 =	smul.u32 @!p0 $0xCD, s5;
	[tilespmem:v3+s20+$0x0] =	vst.idx.add.f32.msk $0xffff, v2  }
0x187: {  	[tilespmem:s25], [sflag:$0x2] =	stream.indirect.gather [hbm4b:s4+s21], $0x80, s24, s21, $0xb8;
	[tilespmem:$0x1EF00] =	vst v63  }
0x188: {  	_ =	swait.ge [sflag:s0], $0x2800  }
0x189: {  	s5 =	sshrl.u32 @!p0 s5, $0xC;
	[sflag:s0] =	ssyncset.done $0x0  }
0x18a: {  	s5 =	smul.u32 @!p0 $0x640, s5;
	[sflag:s0] =	ssyncadd.s32 $0xFFFFD800  }
0x18b: {  	[spmem:s1] =	stream.indirect.scatter.add.f32 [tilespmem:s23], [sflag:$0x3], $0x80, s26, s21, $0xb8;
	[tilespmem:$0x1EF00] =	vst v63  }
0x18c: {  	s5 =	sadd.s32 @!p0 s9, s5;
	_ =	swait.ge [sflag:s28], $0x2800  }
0x18d: {  	s10 =	simm.s32 @!p0 $0x5;
	s5 =	sshrl.u32 @!p0 s5, $0x3;
	[sflag:s28] =	ssyncset.done $0x0  }
0x18e: {  	s11 =	simm.s32 @!p0 $0x0;
	s12 =	sadd.s32 @!p0 s6, s5;
	[sflag:s28] =	ssyncadd.s32 $0xFFFFD800  }
0x18f: {  	[tilespmem:s11], [sflag:$0x5] =	stream.linear.gather @!p0 [hbm4b:s12+s11], $0x640, $0x38;
	[tilespmem:$0x1EF00] =	vst v63  }
0x190: {  	_ =	swait.ge @!p0 [sflag:s10], $0x640  }
0x191: {  	[sflag:s10] =	ssyncset.done @!p0 $0x0  }
0x192: {  	s5 =	sadd.s32 @!p0 s7, s5;
	s12 =	simm.s32 @!p0 $0x680;
	[sflag:s10] =	ssyncadd.s32 @!p0 $0xFFFFF9C0  }
0x193: {  	[tilespmem:s12], [sflag:$0x5] =	stream.linear.gather @!p0 [hbm4b:s5+s11], $0x640, $0x38;
	[tilespmem:$0x1EF00] =	vst v63  }
0x194: {  	_ =	swait.ge @!p0 [sflag:s10], $0x640  }
0x195: {  	s19 =	smul.u32 $0x50, s8;
	[sflag:s10] =	ssyncset.done @!p0 $0x0  }
0x196: {  	[sflag:s10] =	ssyncadd.s32 @!p0 $0xFFFFF9C0  }
0x197: {  	v2 =	vld [tilespmem:s19+$0x680]  }
0x198: {  	v3 =	vld [tilespmem:s19+$0x0];
	_ =	sdelay $0x4  }
0x199: {  	v59 =	vadd.s32 v0, v3;
	[tilespmem:$0xE00] =	vst v2  }
0x19a: {  	[tilespmem:$0xD00] =	vst v59  }
0x19b: {  	v2 =	vld.idx.msk [tilespmem:v2+s15+$0x0], $0xffff;
	_ =	sdelay $0x4  }
0x19c: {  	[tilespmem:v3+s20+$0x0] =	vst.idx.add.f32.msk $0xffff, v2  }
0x19d: {  	s8 =	sor.u32 $0x10, s19;
	v2 =	vld [tilespmem:s19+$0x690]  }
0x19e: {  	v3 =	vld [tilespmem:s8+$0x0];
	_ =	sdelay $0x4  }
0x19f: {  	v60 =	vadd.s32 v0, v3;
	[tilespmem:$0xE10] =	vst v2  }
0x1a0: {  	[tilespmem:$0xD10] =	vst v60  }
0x1a1: {  	v2 =	vld.idx.msk [tilespmem:v2+s15+$0x0], $0xffff;
	_ =	sdelay $0x4  }
0x1a2: {  	[tilespmem:v3+s20+$0x0] =	vst.idx.add.f32.msk $0xffff, v2  }
0x1a3: {  	v2 =	vld [tilespmem:s19+$0x6A0]  }
0x1a4: {  	v3 =	vld [tilespmem:s19+$0x20];
	_ =	sdelay $0x4  }
0x1a5: {  	[tilespmem:$0xE20] =	vst v2;
	v61 =	vadd.s32 v0, v3  }
0x1a6: {  	[tilespmem:$0xD20] =	vst v61  }
0x1a7: {  	v2 =	vld.idx.msk [tilespmem:v2+s15+$0x0], $0xffff;
	_ =	sdelay $0x4  }
0x1a8: {  	[tilespmem:v3+s20+$0x0] =	vst.idx.add.f32.msk $0xffff, v2  }
0x1a9: {  	v2 =	vld [tilespmem:s19+$0x6B0]  }
0x1aa: {  	v3 =	vld [tilespmem:s19+$0x30];
	_ =	sdelay $0x4  }
0x1ab: {  	[tilespmem:$0xE30] =	vst v2;
	v62 =	vadd.s32 v0, v3  }
0x1ac: {  	[tilespmem:$0xD30] =	vst v62  }
0x1ad: {  	v2 =	vld.idx.msk [tilespmem:v2+s15+$0x0], $0xffff;
	_ =	sdelay $0x4  }
0x1ae: {  	[tilespmem:v3+s20+$0x0] =	vst.idx.add.f32.msk $0xffff, v2  }
0x1af: {  	v2 =	vld [tilespmem:s19+$0x6C0]  }
0x1b0: {  	v3 =	vld [tilespmem:s19+$0x40];
	_ =	sdelay $0x4  }
0x1b1: {  	[tilespmem:$0xE40] =	vst v2;
	v63 =	vadd.s32 v0, v3  }
0x1b2: {  	[tilespmem:$0xD40] =	vst v63  }
0x1b3: {  	v2 =	vld.idx.msk [tilespmem:v2+s15+$0x0], $0xffff;
	_ =	sdelay $0x4  }
0x1b4: {  	[tilespmem:v3+s20+$0x0] =	vst.idx.add.f32.msk $0xffff, v2  }
0x1b5: {  	[tilespmem:s23], [sflag:$0x1] =	stream.indirect.gather [hbm4b:s4+s21], $0x80, s22, s21, $0xb8;
	[tilespmem:$0x1EF00] =	vst v63  }
0x1b6: {  	_ =	swait.ge [sflag:s29], $0x2800  }
0x1b7: {  	[sflag:s29] =	ssyncset.done $0x0  }
0x1b8: {  	[sflag:s29] =	ssyncadd.s32 $0xFFFFD800  }
0x1b9: {  	[spmem:s1] =	stream.indirect.scatter.add.f32 [tilespmem:s25], [sflag:$0x4], $0x80, s30, s21, $0xb8;
	[tilespmem:$0x1EF00] =	vst v63  }
0x1ba: {  	_ =	swait.ge [sflag:s31], $0x2800  }
0x1bb: {  	[sflag:s31] =	ssyncset.done $0x0  }
0x1bc: {  	[sflag:s31] =	ssyncadd.s32 $0xFFFFD800  }
0x1bd: {  	_ =	swait.ge [sflag:s0], $0x2800  }
0x1be: {  	[sflag:s0] =	ssyncset.done $0x0  }
0x1bf: {  	[sflag:s0] =	ssyncadd.s32 $0xFFFFD800  }
0x1c0: {  	[spmem:s1] =	stream.indirect.scatter.add.f32 [tilespmem:s23], [sflag:$0x5], $0x80, s26, s21, $0xb8;
	[tilespmem:$0x1EF00] =	vst v63  }
0x1c1: {  	_ =	swait.ge [sflag:s16], $0x2800  }
0x1c2: {  	[sflag:s16] =	ssyncset.done $0x0  }
0x1c3: {  	[sflag:s16] =	ssyncadd.s32 $0xFFFFD800  }
0x1c4: {  	[bflag:$0x0] =	sbarrier.arrive $0xFFFF  }
0x1c5: {  	s11 =	rddreg [dreg:$0x7]  }
0x1c6: {  	[hbm:s11], [sflag:s17] =	dma.local [spmem:s18], $0x2800  }
0x1c7: {  	s2 =	sadd.s32 $0x1, s2;
	s13 =	simm.s32 $0x80;
	_ =	swait.ge [sflag:s16], $0x2800  }
0x1c8: {  	p0 =	sne.s32 s2, s14;
	s19 =	simm.s32 $0x400;
	[sflag:s16] =	ssyncset.done $0x0  }
.Ltmp2:
0x1c9: {  	s12 =	rddreg [dreg:$0x8];
	[sflag:s16] =	ssyncadd.s32 $0xFFFFD800;
	(pc) =	sbr.rel @p0 .LBB2_1-.Ltmp2, $4  }
0x1ca: {  	[hbm4b:s12+s13] =	stream.strided.scatter [tilespmem:s20], [sflag:$0x5], $0x2800, s19, s13, $0x38;
	[tilespmem:$0x1EF00] =	vst v63  }
0x1cb: {  	_ =	swait.ge [sflag:s16], $0x2800  }
0x1cc: {  	[sflag:s16] =	ssyncset.done $0x0  }
0x1cd: {  	[sflag:s16] =	ssyncadd.s32 $0xFFFFD800  }
0x1ce: {  	_ =	sfence.sel $0x180000  }
0x1cf: {  	[bflag:$0x0] =	sbarrier.arrive $0xFFFF  }
0x1d0: {  	_ =	strace $0x9000004A  }
0x1d1: {  	s0 =	stileid.u32;
	[bflag:$0x2] =	sbarrier.arrive $0xFFFF  }
0x1d2: {  	p0 =	sne.s32 s0, $0x0;
	s0 =	rddreg [dreg:$0x2]  }
0x1d3: {  	s0 =	sadd.s32 @!p0 $0x100000, s0  }
0x1d4: {  	[sflag:s0] =	ssyncadd.tile.s32 @!p0 $0x1;
	_ =	shalt  }
.Lfunc_end2:
_tile_overlayer_lowered:
.L_overlay_start_2:
0x1d5: {  	(tag) =	ssettag $0x2  }
0x1d6: {  	s0 =	rddreg [dreg:$0x0];
	s2 =	stileid.u32  }
0x1d7: {  	s1 =	rddreg [dreg:$0x1];
	p0 =	sne.s32 s2, $0x0  }
0x1d8: {  	s3 =	rddreg [dreg:$0x2];
	[bflag:$0x3] =	sbarrier.arrive $0xFFFF;
	s2 =	simm.s32 @!p0 $0x1C05  }
0x1d9: {  	[timem:s3], [sflag:s2] =	dma.local @!p0 [hbm:s0], s1  }
0x1da: {  	s0 =	simm.s32 @!p0 $0x5  }
0x1db: {  	_ =	swait.ge @!p0 [sflag:s0], s1  }
0x1dc: {  	s1 =	ssub.s32 @!p0 $0x0, s1;
	[sflag:s0] =	ssyncset.done @!p0 $0x0  }
0x1dd: {  	[sflag:s0] =	ssyncadd.s32 @!p0 s1  }
0x1de: {  	[bflag:$0x3] =	sbarrier.arrive $0xFFFF  }
0x1df: {  	_ =	shalt  }

</sc_bundles>
